<compile_context>
chip_gen: v7x
topology: tpu7x:2x2x1
jax: 0.10.2.dev20260603
libtpu: 0.0.44.dev20260713+nightly
codegen_flags: <defaults>
</compile_context>

<pallas_src>
import functools

import jax
import jax.numpy as jnp
import numpy as np
from jax import lax
from jax.experimental import pallas as pl
from jax.experimental.pallas import tpu as pltpu
from jax.experimental.pallas import tpu_sc as plsc

K_NN = 6
BLK = 512
BLKC = 2048


def _knn_proj_kernel(pos_ref, pos_t_ref, h_ref, wqt_ref, bq_ref, wkt_ref,
                     bk_ref, wvt_ref, bv_ref, q_ref, kv_ref, idx_ref):
    b = pl.program_id(0)
    n = pos_t_ref.shape[2]

    pos_blk = pos_ref[0]
    pos_t = pos_t_ref[0]

    x2_blk = jnp.sum(pos_blk * pos_blk, axis=1, keepdims=True)
    x2_all = jnp.sum(pos_t * pos_t, axis=0, keepdims=True)

    pb = (-2.0 * pos_blk.astype(jnp.bfloat16).astype(jnp.float32)
          ).astype(jnp.bfloat16)
    pt = pos_t.astype(jnp.bfloat16)
    s2 = jax.lax.dot_general(pb, pt, (((1,), (0,)), ((), ())),
                             preferred_element_type=jnp.float32)
    d2 = x2_blk + x2_all + s2
    dists = jnp.sqrt(jnp.maximum(d2, 0.0))

    iota_f = jax.lax.broadcasted_iota(
        jnp.int32, dists.shape, 1).astype(jnp.float32)
    inf = jnp.float32(np.inf)
    work = dists
    amins = []
    for _ in range(K_NN):
        m = jnp.min(work, axis=1, keepdims=True)
        cand = jnp.where(work == m, iota_f, jnp.float32(4096.0))
        amin = jnp.min(cand, axis=1, keepdims=True)
        amins.append(amin)
        work = jnp.where(cand == amin, inf, work)
    idx_blk = jnp.concatenate(amins, axis=1).astype(jnp.int32)
    idx_ref[0] = idx_blk + b * n

    h_blk = h_ref[0]
    q = jnp.dot(h_blk, wqt_ref[...], preferred_element_type=jnp.float32)
    q_ref[0] = q + bq_ref[...]
    k = jnp.dot(h_blk, wkt_ref[...], preferred_element_type=jnp.float32)
    k = k + bk_ref[...]
    v = jnp.dot(h_blk, wvt_ref[...], preferred_element_type=jnp.float32)
    v = v + bv_ref[...]
    kv_ref[0] = jnp.concatenate([k, v], axis=1)


def _attn_kernel(q_ref, *refs):
    kv_refs, out_ref = refs[:K_NN], refs[K_NN]
    d = q_ref.shape[1]
    q = q_ref[...]
    logits = []
    for j in range(K_NN):
        kg = kv_refs[j][:, 0:d]
        logits.append(jnp.sum(q * kg, axis=1, keepdims=True)
                      * jnp.float32(1.0 / 8.0))
    mx = logits[0]
    for j in range(1, K_NN):
        mx = jnp.maximum(mx, logits[j])
    es = [jnp.exp(l - mx) for l in logits]
    ssum = es[0]
    for j in range(1, K_NN):
        ssum = ssum + es[j]
    out = jnp.zeros(q.shape, jnp.float32)
    for j in range(K_NN):
        vg = kv_refs[j][:, d:2 * d]
        out = out + (es[j] / ssum) * vg
    out_ref[...] = out


def _make_sc_gather(total, d2x):
    info = plsc.get_sparse_core_info()
    nw = info.num_cores * info.num_subcores
    per_w = total // nw
    ch = 128
    n_ch = per_w // ch
    mesh = plsc.VectorSubcoreMesh(core_axis_name="c", subcore_axis_name="s")

    @functools.partial(
        pl.kernel, mesh=mesh,
        out_type=jax.ShapeDtypeStruct((total, d2x), jnp.float32),
        scratch_types=[
            pltpu.VMEM((per_w,), jnp.int32),
            pltpu.VMEM((ch, d2x), jnp.float32),
            pltpu.VMEM((ch, d2x), jnp.float32),
            pltpu.SemaphoreType.DMA,
            pltpu.SemaphoreType.DMA,
        ],
    )
    def gather(kv_hbm, idx_hbm, out_hbm, idx_all, r0, r1, s0, s1):
        wid = lax.axis_index("s") * info.num_cores + lax.axis_index("c")
        base = wid * per_w
        pltpu.sync_copy(idx_hbm.at[pl.ds(base, per_w)], idx_all)
        bufs, sems = (r0, r1), (s0, s1)
        pending = [None, None]
        pending[0] = pltpu.async_copy(
            kv_hbm.at[idx_all.at[pl.ds(0, ch)]], r0, s0)
        for c in range(n_ch):
            if c + 1 < n_ch:
                pending[(c + 1) % 2] = pltpu.async_copy(
                    kv_hbm.at[idx_all.at[pl.ds((c + 1) * ch, ch)]],
                    bufs[(c + 1) % 2], sems[(c + 1) % 2])
            pending[c % 2].wait()
            pltpu.sync_copy(bufs[c % 2], out_hbm.at[pl.ds(base + c * ch, ch)])

    return gather


@jax.jit
def kernel(h, pos, Wq, bq, Wk, bk, Wv, bv):
    B, N, D = h.shape
    pos_t = jnp.transpose(pos, (0, 2, 1))
    total = B * N * K_NN
    gather = _make_sc_gather(total, 2 * D)
    nblk = B * N // BLKC

    def _plane_spec(j):
        return pl.BlockSpec((BLKC, 2 * D), lambda r, j=j: (j * nblk + r, 0))

    stage1 = functools.partial(
        pl.pallas_call,
        _knn_proj_kernel,
        grid=(B, N // BLK),
        in_specs=[
            pl.BlockSpec((1, BLK, 3), lambda b, i: (b, i, 0)),
            pl.BlockSpec((1, 3, N), lambda b, i: (b, 0, 0)),
            pl.BlockSpec((1, BLK, D), lambda b, i: (b, i, 0)),
            pl.BlockSpec((D, D), lambda b, i: (0, 0)),
            pl.BlockSpec((1, D), lambda b, i: (0, 0)),
            pl.BlockSpec((D, D), lambda b, i: (0, 0)),
            pl.BlockSpec((1, D), lambda b, i: (0, 0)),
            pl.BlockSpec((D, D), lambda b, i: (0, 0)),
            pl.BlockSpec((1, D), lambda b, i: (0, 0)),
        ],
        out_specs=[
            pl.BlockSpec((1, BLK, D), lambda b, i: (b, i, 0)),
            pl.BlockSpec((1, BLK, 2 * D), lambda b, i: (b, i, 0)),
            pl.BlockSpec((1, BLK, K_NN), lambda b, i: (b, i, 0)),
        ],
        out_shape=[
            jax.ShapeDtypeStruct((B, N, D), jnp.float32),
            jax.ShapeDtypeStruct((B, N, 2 * D), jnp.float32),
            jax.ShapeDtypeStruct((B, N, K_NN), jnp.int32),
        ],
        compiler_params=pltpu.CompilerParams(
            dimension_semantics=("arbitrary", "arbitrary")),
    )
    stage3 = functools.partial(
        pl.pallas_call,
        _attn_kernel,
        grid=(nblk,),
        in_specs=[pl.BlockSpec((BLKC, D), lambda r: (r, 0))]
        + [_plane_spec(j) for j in range(K_NN)],
        out_specs=pl.BlockSpec((BLKC, D), lambda r: (r, 0)),
        out_shape=jax.ShapeDtypeStruct((B * N, D), jnp.float32),
        compiler_params=pltpu.CompilerParams(
            dimension_semantics=("arbitrary",)),
    )

    wqt, wkt, wvt = Wq.T, Wk.T, Wv.T
    bq2, bk2, bv2 = bq.reshape(1, D), bk.reshape(1, D), bv.reshape(1, D)

    q, kv, idx = stage1()(pos, pos_t, h, wqt, bq2, wkt, bk2, wvt, bv2)
    idx_nm = jnp.transpose(idx, (2, 0, 1)).reshape(total)
    kgvg = gather(kv.reshape(B * N, 2 * D), idx_nm)
    out = stage3()(q.reshape(B * N, D), *([kgvg] * K_NN))
    return out.reshape(B, N, D)

# --- scband reference (transcript-rebuilt; emitter-appended) ---
"""Pipeline reference for scband-neighbor-comm-39582418600050 (READ-ONLY COPY).

The authoritative reference and input builder live on the scoring server;
editing this copy changes nothing except your own understanding.
"""

import jax, jax.numpy as jnp
import numpy as np

K_NEIGHBORS = 6


def setup_inputs(seed: int = 0) -> dict:
    key = jax.random.key(seed)
    ks = jax.random.split(key, 8)
    B, N, D = 4, 2048, 64
    h = jax.random.normal(ks[0], (B, N, D), dtype=jnp.float32)
    pos = jax.random.normal(ks[1], (B, N, 3), dtype=jnp.float32)
    s = 1.0 / np.sqrt(D)
    Wq = jax.random.uniform(ks[2], (D, D), minval=-s, maxval=s, dtype=jnp.float32)
    bq = jax.random.uniform(ks[3], (D,), minval=-s, maxval=s, dtype=jnp.float32)
    Wk = jax.random.uniform(ks[4], (D, D), minval=-s, maxval=s, dtype=jnp.float32)
    bk = jax.random.uniform(ks[5], (D,), minval=-s, maxval=s, dtype=jnp.float32)
    Wv = jax.random.uniform(ks[6], (D, D), minval=-s, maxval=s, dtype=jnp.float32)
    bv = jax.random.uniform(ks[7], (D,), minval=-s, maxval=s, dtype=jnp.float32)
    return {"h": h, "pos": pos, "Wq": Wq, "bq": bq, "Wk": Wk, "bk": bk, "Wv": Wv, "bv": bv}


def reference(h, pos, Wq, bq, Wk, bk, Wv, bv):
    B, N, D = h.shape
    # torch.cdist(pos, pos) via the matmul identity (torch default compute mode)
    x2 = jnp.sum(pos * pos, axis=-1)
    d2 = x2[:, :, None] + x2[:, None, :] - 2.0 * jnp.einsum('bnc,bmc->bnm', pos, pos)
    dists = jnp.sqrt(jnp.clip(d2, 0.0, None))
    knn_idx = jnp.argsort(dists, axis=-1)[:, :, :K_NEIGHBORS]  # [B, N, K]
    # nn.Linear: x @ W.T + b
    Q = h @ Wq.T + bq
    K = h @ Wk.T + bk
    V = h @ Wv.T + bv
    # gather neighbor keys/values: [B, N, K, D]
    Kg = jax.vmap(lambda Kb, ib: Kb[ib])(K, knn_idx)
    Vg = jax.vmap(lambda Vb, ib: Vb[ib])(V, knn_idx)
    logits = jnp.einsum('bnd,bnkd->bnk', Q, Kg) / np.sqrt(64.0)
    attn = jax.nn.softmax(logits, axis=-1)
    out = jnp.einsum('bnk,bnkd->bnd', attn, Vg)
    return out

if __name__ == "__main__":
    import jax
    _d = setup_inputs()
    print(jax.jit(kernel)(*tuple(_d.values())))

</pallas_src>

<mosaic_0001>
#map = affine_map<(d0, d1) -> (0, 0)>
#map1 = affine_map<(d0, d1) -> (0)>
module attributes {stable_mosaic.version = 14 : i64} {
  func.func @gather(%arg0: i32, %arg1: i32, %arg2: memref<8192x128xf32, #tpu.memory_space<hbm>>, %arg3: memref<49152xi32, #tpu.memory_space<hbm>>, %arg4: memref<49152x128xf32, #tpu.memory_space<hbm>>, %arg5: memref<1536xi32, #tpu.memory_space<vmem>>, %arg6: memref<128x128xf32, #tpu.memory_space<vmem>>, %arg7: memref<128x128xf32, #tpu.memory_space<vmem>>, %arg8: memref<!tpu.dma_semaphore, #tpu.memory_space<semaphore_mem>>, %arg9: memref<!tpu.dma_semaphore, #tpu.memory_space<semaphore_mem>>) attributes {dimension_semantics = [#tpu.dimension_semantics<core_parallel>, #tpu.dimension_semantics<subcore_parallel>], iteration_bounds = array<i64: 2, 16>, scalar_prefetch = 0 : i64, scratch_operands = 5 : i64, tpu.core_type = #tpu.core_type<sc_vector_subcore>, window_params = [{transform_indices = #map}, {transform_indices = #map1}, {transform_indices = #map}]} {
    %mul3A = arith.constant 2 : i32
    %mul3A_0 = arith.muli %arg1, %mul3A : i32
    %add3A = arith.addi %mul3A_0, %arg0 : i32
    %mul3A_1 = arith.constant 1536 : i32
    %mul3A_2 = arith.muli %add3A, %mul3A_1 : i32
    "tpu.region"() ({
      %run_scoped3A = tpu.sem_alloc : memref<!tpu.dma_semaphore, #tpu.memory_space<semaphore_mem>>
      %dma_start3A_145 = tpu.memref_slice %arg3[%mul3A_2] : memref<49152xi32, #tpu.memory_space<hbm>> -> memref<1536xi32, #tpu.memory_space<hbm>>
      %dma_start3A_146 = tpu.memref_slice %arg3[%mul3A_2] : memref<49152xi32, #tpu.memory_space<hbm>> -> memref<1536xi32, #tpu.memory_space<hbm>>
      tpu.enqueue_dma source(%dma_start3A_146 : memref<1536xi32, #tpu.memory_space<hbm>>) target(%arg5 : memref<1536xi32, #tpu.memory_space<vmem>>) target_semaphore(%run_scoped3A : memref<!tpu.dma_semaphore, #tpu.memory_space<semaphore_mem>>)
      %dma_wait3A_147 = tpu.memref_slice %arg3[%mul3A_2] : memref<49152xi32, #tpu.memory_space<hbm>> -> memref<1536xi32, #tpu.memory_space<hbm>>
      %dma_wait3A_148 = tpu.memref_slice %arg3[%mul3A_2] : memref<49152xi32, #tpu.memory_space<hbm>> -> memref<1536xi32, #tpu.memory_space<hbm>>
      tpu.wait_dma2 semaphore(%run_scoped3A : memref<!tpu.dma_semaphore, #tpu.memory_space<semaphore_mem>>) src(%dma_wait3A_148 : memref<1536xi32, #tpu.memory_space<hbm>>) dst(%arg5 : memref<1536xi32, #tpu.memory_space<vmem>>)
      tpu.yield
    }) : () -> ()
    %dma_start3A = arith.constant 0 : i32
    %dma_start3A_3 = tpu.memref_slice %arg5[%dma_start3A] : memref<1536xi32, #tpu.memory_space<vmem>> -> memref<128xi32, #tpu.memory_space<vmem>>
    %dma_start3A_4 = arith.constant 0 : i32
    %dma_start3A_5 = arith.constant 0 : i32
    %dma_start3A_6 = tpu.memref_slice %arg2[%dma_start3A_4, %dma_start3A_5] : memref<8192x128xf32, #tpu.memory_space<hbm>> -> memref<8192x128xf32, #tpu.memory_space<hbm>>
    tpu.enqueue_indirect_dma source(%dma_start3A_6 : memref<8192x128xf32, #tpu.memory_space<hbm>>) target(%arg6 : memref<128x128xf32, #tpu.memory_space<vmem>>) offsets(%dma_start3A_3 : memref<128xi32, #tpu.memory_space<vmem>>) semaphore(%arg8 : memref<!tpu.dma_semaphore, #tpu.memory_space<semaphore_mem>>)
    %dma_start3A_7 = arith.constant 128 : i32
    %dma_start3A_8 = tpu.memref_slice %arg5[%dma_start3A_7] : memref<1536xi32, #tpu.memory_space<vmem>> -> memref<128xi32, #tpu.memory_space<vmem>>
    %dma_start3A_9 = arith.constant 0 : i32
    %dma_start3A_10 = arith.constant 0 : i32
    %dma_start3A_11 = tpu.memref_slice %arg2[%dma_start3A_9, %dma_start3A_10] : memref<8192x128xf32, #tpu.memory_space<hbm>> -> memref<8192x128xf32, #tpu.memory_space<hbm>>
    tpu.enqueue_indirect_dma source(%dma_start3A_11 : memref<8192x128xf32, #tpu.memory_space<hbm>>) target(%arg7 : memref<128x128xf32, #tpu.memory_space<vmem>>) offsets(%dma_start3A_8 : memref<128xi32, #tpu.memory_space<vmem>>) semaphore(%arg9 : memref<!tpu.dma_semaphore, #tpu.memory_space<semaphore_mem>>)
    %dma_wait3A = arith.constant 0 : i32
    %dma_wait3A_12 = tpu.memref_slice %arg5[%dma_wait3A] : memref<1536xi32, #tpu.memory_space<vmem>> -> memref<128xi32, #tpu.memory_space<vmem>>
    %dma_wait3A_13 = arith.constant 0 : i32
    %dma_wait3A_14 = arith.constant 0 : i32
    %dma_wait3A_15 = tpu.memref_slice %arg2[%dma_wait3A_13, %dma_wait3A_14] : memref<8192x128xf32, #tpu.memory_space<hbm>> -> memref<8192x128xf32, #tpu.memory_space<hbm>>
    tpu.wait_indirect_dma semaphore(%arg8 : memref<!tpu.dma_semaphore, #tpu.memory_space<semaphore_mem>>) src(%dma_wait3A_15 : memref<8192x128xf32, #tpu.memory_space<hbm>>) dst(%arg6 : memref<128x128xf32, #tpu.memory_space<vmem>>)
    %add3A_16 = arith.constant 0 : i32
    %add3A_17 = arith.addi %mul3A_2, %add3A_16 : i32
    "tpu.region"() ({
      %run_scoped3A = tpu.sem_alloc : memref<!tpu.dma_semaphore, #tpu.memory_space<semaphore_mem>>
      %dma_start3A_145 = arith.constant 0 : i32
      %dma_start3A_146 = tpu.memref_slice %arg4[%add3A_17, %dma_start3A_145] : memref<49152x128xf32, #tpu.memory_space<hbm>> -> memref<128x128xf32, #tpu.memory_space<hbm>>
      %dma_start3A_147 = arith.constant 0 : i32
      %dma_start3A_148 = tpu.memref_slice %arg4[%add3A_17, %dma_start3A_147] : memref<49152x128xf32, #tpu.memory_space<hbm>> -> memref<128x128xf32, #tpu.memory_space<hbm>>
      tpu.enqueue_dma source(%arg6 : memref<128x128xf32, #tpu.memory_space<vmem>>) target(%dma_start3A_148 : memref<128x128xf32, #tpu.memory_space<hbm>>) target_semaphore(%run_scoped3A : memref<!tpu.dma_semaphore, #tpu.memory_space<semaphore_mem>>)
      %dma_wait3A_149 = arith.constant 0 : i32
      %dma_wait3A_150 = tpu.memref_slice %arg4[%add3A_17, %dma_wait3A_149] : memref<49152x128xf32, #tpu.memory_space<hbm>> -> memref<128x128xf32, #tpu.memory_space<hbm>>
      %dma_wait3A_151 = arith.constant 0 : i32
      %dma_wait3A_152 = tpu.memref_slice %arg4[%add3A_17, %dma_wait3A_151] : memref<49152x128xf32, #tpu.memory_space<hbm>> -> memref<128x128xf32, #tpu.memory_space<hbm>>
      tpu.wait_dma2 semaphore(%run_scoped3A : memref<!tpu.dma_semaphore, #tpu.memory_space<semaphore_mem>>) src(%arg6 : memref<128x128xf32, #tpu.memory_space<vmem>>) dst(%dma_wait3A_152 : memref<128x128xf32, #tpu.memory_space<hbm>>)
      tpu.yield
    }) : () -> ()
    %dma_start3A_18 = arith.constant 256 : i32
    %dma_start3A_19 = tpu.memref_slice %arg5[%dma_start3A_18] : memref<1536xi32, #tpu.memory_space<vmem>> -> memref<128xi32, #tpu.memory_space<vmem>>
    %dma_start3A_20 = arith.constant 0 : i32
    %dma_start3A_21 = arith.constant 0 : i32
    %dma_start3A_22 = tpu.memref_slice %arg2[%dma_start3A_20, %dma_start3A_21] : memref<8192x128xf32, #tpu.memory_space<hbm>> -> memref<8192x128xf32, #tpu.memory_space<hbm>>
    tpu.enqueue_indirect_dma source(%dma_start3A_22 : memref<8192x128xf32, #tpu.memory_space<hbm>>) target(%arg6 : memref<128x128xf32, #tpu.memory_space<vmem>>) offsets(%dma_start3A_19 : memref<128xi32, #tpu.memory_space<vmem>>) semaphore(%arg8 : memref<!tpu.dma_semaphore, #tpu.memory_space<semaphore_mem>>)
    %dma_wait3A_23 = arith.constant 128 : i32
    %dma_wait3A_24 = tpu.memref_slice %arg5[%dma_wait3A_23] : memref<1536xi32, #tpu.memory_space<vmem>> -> memref<128xi32, #tpu.memory_space<vmem>>
    %dma_wait3A_25 = arith.constant 0 : i32
    %dma_wait3A_26 = arith.constant 0 : i32
    %dma_wait3A_27 = tpu.memref_slice %arg2[%dma_wait3A_25, %dma_wait3A_26] : memref<8192x128xf32, #tpu.memory_space<hbm>> -> memref<8192x128xf32, #tpu.memory_space<hbm>>
    tpu.wait_indirect_dma semaphore(%arg9 : memref<!tpu.dma_semaphore, #tpu.memory_space<semaphore_mem>>) src(%dma_wait3A_27 : memref<8192x128xf32, #tpu.memory_space<hbm>>) dst(%arg7 : memref<128x128xf32, #tpu.memory_space<vmem>>)
    %add3A_28 = arith.constant 128 : i32
    %add3A_29 = arith.addi %mul3A_2, %add3A_28 : i32
    "tpu.region"() ({
      %run_scoped3A = tpu.sem_alloc : memref<!tpu.dma_semaphore, #tpu.memory_space<semaphore_mem>>
      %dma_start3A_145 = arith.constant 0 : i32
      %dma_start3A_146 = tpu.memref_slice %arg4[%add3A_29, %dma_start3A_145] : memref<49152x128xf32, #tpu.memory_space<hbm>> -> memref<128x128xf32, #tpu.memory_space<hbm>>
      %dma_start3A_147 = arith.constant 0 : i32
      %dma_start3A_148 = tpu.memref_slice %arg4[%add3A_29, %dma_start3A_147] : memref<49152x128xf32, #tpu.memory_space<hbm>> -> memref<128x128xf32, #tpu.memory_space<hbm>>
      tpu.enqueue_dma source(%arg7 : memref<128x128xf32, #tpu.memory_space<vmem>>) target(%dma_start3A_148 : memref<128x128xf32, #tpu.memory_space<hbm>>) target_semaphore(%run_scoped3A : memref<!tpu.dma_semaphore, #tpu.memory_space<semaphore_mem>>)
      %dma_wait3A_149 = arith.constant 0 : i32
      %dma_wait3A_150 = tpu.memref_slice %arg4[%add3A_29, %dma_wait3A_149] : memref<49152x128xf32, #tpu.memory_space<hbm>> -> memref<128x128xf32, #tpu.memory_space<hbm>>
      %dma_wait3A_151 = arith.constant 0 : i32
      %dma_wait3A_152 = tpu.memref_slice %arg4[%add3A_29, %dma_wait3A_151] : memref<49152x128xf32, #tpu.memory_space<hbm>> -> memref<128x128xf32, #tpu.memory_space<hbm>>
      tpu.wait_dma2 semaphore(%run_scoped3A : memref<!tpu.dma_semaphore, #tpu.memory_space<semaphore_mem>>) src(%arg7 : memref<128x128xf32, #tpu.memory_space<vmem>>) dst(%dma_wait3A_152 : memref<128x128xf32, #tpu.memory_space<hbm>>)
      tpu.yield
    }) : () -> ()
    %dma_start3A_30 = arith.constant 384 : i32
    %dma_start3A_31 = tpu.memref_slice %arg5[%dma_start3A_30] : memref<1536xi32, #tpu.memory_space<vmem>> -> memref<128xi32, #tpu.memory_space<vmem>>
    %dma_start3A_32 = arith.constant 0 : i32
    %dma_start3A_33 = arith.constant 0 : i32
    %dma_start3A_34 = tpu.memref_slice %arg2[%dma_start3A_32, %dma_start3A_33] : memref<8192x128xf32, #tpu.memory_space<hbm>> -> memref<8192x128xf32, #tpu.memory_space<hbm>>
    tpu.enqueue_indirect_dma source(%dma_start3A_34 : memref<8192x128xf32, #tpu.memory_space<hbm>>) target(%arg7 : memref<128x128xf32, #tpu.memory_space<vmem>>) offsets(%dma_start3A_31 : memref<128xi32, #tpu.memory_space<vmem>>) semaphore(%arg9 : memref<!tpu.dma_semaphore, #tpu.memory_space<semaphore_mem>>)
    %dma_wait3A_35 = arith.constant 256 : i32
    %dma_wait3A_36 = tpu.memref_slice %arg5[%dma_wait3A_35] : memref<1536xi32, #tpu.memory_space<vmem>> -> memref<128xi32, #tpu.memory_space<vmem>>
    %dma_wait3A_37 = arith.constant 0 : i32
    %dma_wait3A_38 = arith.constant 0 : i32
    %dma_wait3A_39 = tpu.memref_slice %arg2[%dma_wait3A_37, %dma_wait3A_38] : memref<8192x128xf32, #tpu.memory_space<hbm>> -> memref<8192x128xf32, #tpu.memory_space<hbm>>
    tpu.wait_indirect_dma semaphore(%arg8 : memref<!tpu.dma_semaphore, #tpu.memory_space<semaphore_mem>>) src(%dma_wait3A_39 : memref<8192x128xf32, #tpu.memory_space<hbm>>) dst(%arg6 : memref<128x128xf32, #tpu.memory_space<vmem>>)
    %add3A_40 = arith.constant 256 : i32
    %add3A_41 = arith.addi %mul3A_2, %add3A_40 : i32
    "tpu.region"() ({
      %run_scoped3A = tpu.sem_alloc : memref<!tpu.dma_semaphore, #tpu.memory_space<semaphore_mem>>
      %dma_start3A_145 = arith.constant 0 : i32
      %dma_start3A_146 = tpu.memref_slice %arg4[%add3A_41, %dma_start3A_145] : memref<49152x128xf32, #tpu.memory_space<hbm>> -> memref<128x128xf32, #tpu.memory_space<hbm>>
      %dma_start3A_147 = arith.constant 0 : i32
      %dma_start3A_148 = tpu.memref_slice %arg4[%add3A_41, %dma_start3A_147] : memref<49152x128xf32, #tpu.memory_space<hbm>> -> memref<128x128xf32, #tpu.memory_space<hbm>>
      tpu.enqueue_dma source(%arg6 : memref<128x128xf32, #tpu.memory_space<vmem>>) target(%dma_start3A_148 : memref<128x128xf32, #tpu.memory_space<hbm>>) target_semaphore(%run_scoped3A : memref<!tpu.dma_semaphore, #tpu.memory_space<semaphore_mem>>)
      %dma_wait3A_149 = arith.constant 0 : i32
      %dma_wait3A_150 = tpu.memref_slice %arg4[%add3A_41, %dma_wait3A_149] : memref<49152x128xf32, #tpu.memory_space<hbm>> -> memref<128x128xf32, #tpu.memory_space<hbm>>
      %dma_wait3A_151 = arith.constant 0 : i32
      %dma_wait3A_152 = tpu.memref_slice %arg4[%add3A_41, %dma_wait3A_151] : memref<49152x128xf32, #tpu.memory_space<hbm>> -> memref<128x128xf32, #tpu.memory_space<hbm>>
      tpu.wait_dma2 semaphore(%run_scoped3A : memref<!tpu.dma_semaphore, #tpu.memory_space<semaphore_mem>>) src(%arg6 : memref<128x128xf32, #tpu.memory_space<vmem>>) dst(%dma_wait3A_152 : memref<128x128xf32, #tpu.memory_space<hbm>>)
      tpu.yield
    }) : () -> ()
    %dma_start3A_42 = arith.constant 512 : i32
    %dma_start3A_43 = tpu.memref_slice %arg5[%dma_start3A_42] : memref<1536xi32, #tpu.memory_space<vmem>> -> memref<128xi32, #tpu.memory_space<vmem>>
    %dma_start3A_44 = arith.constant 0 : i32
    %dma_start3A_45 = arith.constant 0 : i32
    %dma_start3A_46 = tpu.memref_slice %arg2[%dma_start3A_44, %dma_start3A_45] : memref<8192x128xf32, #tpu.memory_space<hbm>> -> memref<8192x128xf32, #tpu.memory_space<hbm>>
    tpu.enqueue_indirect_dma source(%dma_start3A_46 : memref<8192x128xf32, #tpu.memory_space<hbm>>) target(%arg6 : memref<128x128xf32, #tpu.memory_space<vmem>>) offsets(%dma_start3A_43 : memref<128xi32, #tpu.memory_space<vmem>>) semaphore(%arg8 : memref<!tpu.dma_semaphore, #tpu.memory_space<semaphore_mem>>)
    %dma_wait3A_47 = arith.constant 384 : i32
    %dma_wait3A_48 = tpu.memref_slice %arg5[%dma_wait3A_47] : memref<1536xi32, #tpu.memory_space<vmem>> -> memref<128xi32, #tpu.memory_space<vmem>>
    %dma_wait3A_49 = arith.constant 0 : i32
    %dma_wait3A_50 = arith.constant 0 : i32
    %dma_wait3A_51 = tpu.memref_slice %arg2[%dma_wait3A_49, %dma_wait3A_50] : memref<8192x128xf32, #tpu.memory_space<hbm>> -> memref<8192x128xf32, #tpu.memory_space<hbm>>
    tpu.wait_indirect_dma semaphore(%arg9 : memref<!tpu.dma_semaphore, #tpu.memory_space<semaphore_mem>>) src(%dma_wait3A_51 : memref<8192x128xf32, #tpu.memory_space<hbm>>) dst(%arg7 : memref<128x128xf32, #tpu.memory_space<vmem>>)
    %add3A_52 = arith.constant 384 : i32
    %add3A_53 = arith.addi %mul3A_2, %add3A_52 : i32
    "tpu.region"() ({
      %run_scoped3A = tpu.sem_alloc : memref<!tpu.dma_semaphore, #tpu.memory_space<semaphore_mem>>
      %dma_start3A_145 = arith.constant 0 : i32
      %dma_start3A_146 = tpu.memref_slice %arg4[%add3A_53, %dma_start3A_145] : memref<49152x128xf32, #tpu.memory_space<hbm>> -> memref<128x128xf32, #tpu.memory_space<hbm>>
      %dma_start3A_147 = arith.constant 0 : i32
      %dma_start3A_148 = tpu.memref_slice %arg4[%add3A_53, %dma_start3A_147] : memref<49152x128xf32, #tpu.memory_space<hbm>> -> memref<128x128xf32, #tpu.memory_space<hbm>>
      tpu.enqueue_dma source(%arg7 : memref<128x128xf32, #tpu.memory_space<vmem>>) target(%dma_start3A_148 : memref<128x128xf32, #tpu.memory_space<hbm>>) target_semaphore(%run_scoped3A : memref<!tpu.dma_semaphore, #tpu.memory_space<semaphore_mem>>)
      %dma_wait3A_149 = arith.constant 0 : i32
      %dma_wait3A_150 = tpu.memref_slice %arg4[%add3A_53, %dma_wait3A_149] : memref<49152x128xf32, #tpu.memory_space<hbm>> -> memref<128x128xf32, #tpu.memory_space<hbm>>
      %dma_wait3A_151 = arith.constant 0 : i32
      %dma_wait3A_152 = tpu.memref_slice %arg4[%add3A_53, %dma_wait3A_151] : memref<49152x128xf32, #tpu.memory_space<hbm>> -> memref<128x128xf32, #tpu.memory_space<hbm>>
      tpu.wait_dma2 semaphore(%run_scoped3A : memref<!tpu.dma_semaphore, #tpu.memory_space<semaphore_mem>>) src(%arg7 : memref<128x128xf32, #tpu.memory_space<vmem>>) dst(%dma_wait3A_152 : memref<128x128xf32, #tpu.memory_space<hbm>>)
      tpu.yield
    }) : () -> ()
    %dma_start3A_54 = arith.constant 640 : i32
    %dma_start3A_55 = tpu.memref_slice %arg5[%dma_start3A_54] : memref<1536xi32, #tpu.memory_space<vmem>> -> memref<128xi32, #tpu.memory_space<vmem>>
    %dma_start3A_56 = arith.constant 0 : i32
    %dma_start3A_57 = arith.constant 0 : i32
    %dma_start3A_58 = tpu.memref_slice %arg2[%dma_start3A_56, %dma_start3A_57] : memref<8192x128xf32, #tpu.memory_space<hbm>> -> memref<8192x128xf32, #tpu.memory_space<hbm>>
    tpu.enqueue_indirect_dma source(%dma_start3A_58 : memref<8192x128xf32, #tpu.memory_space<hbm>>) target(%arg7 : memref<128x128xf32, #tpu.memory_space<vmem>>) offsets(%dma_start3A_55 : memref<128xi32, #tpu.memory_space<vmem>>) semaphore(%arg9 : memref<!tpu.dma_semaphore, #tpu.memory_space<semaphore_mem>>)
    %dma_wait3A_59 = arith.constant 512 : i32
    %dma_wait3A_60 = tpu.memref_slice %arg5[%dma_wait3A_59] : memref<1536xi32, #tpu.memory_space<vmem>> -> memref<128xi32, #tpu.memory_space<vmem>>
    %dma_wait3A_61 = arith.constant 0 : i32
    %dma_wait3A_62 = arith.constant 0 : i32
    %dma_wait3A_63 = tpu.memref_slice %arg2[%dma_wait3A_61, %dma_wait3A_62] : memref<8192x128xf32, #tpu.memory_space<hbm>> -> memref<8192x128xf32, #tpu.memory_space<hbm>>
    tpu.wait_indirect_dma semaphore(%arg8 : memref<!tpu.dma_semaphore, #tpu.memory_space<semaphore_mem>>) src(%dma_wait3A_63 : memref<8192x128xf32, #tpu.memory_space<hbm>>) dst(%arg6 : memref<128x128xf32, #tpu.memory_space<vmem>>)
    %add3A_64 = arith.constant 512 : i32
    %add3A_65 = arith.addi %mul3A_2, %add3A_64 : i32
    "tpu.region"() ({
      %run_scoped3A = tpu.sem_alloc : memref<!tpu.dma_semaphore, #tpu.memory_space<semaphore_mem>>
      %dma_start3A_145 = arith.constant 0 : i32
      %dma_start3A_146 = tpu.memref_slice %arg4[%add3A_65, %dma_start3A_145] : memref<49152x128xf32, #tpu.memory_space<hbm>> -> memref<128x128xf32, #tpu.memory_space<hbm>>
      %dma_start3A_147 = arith.constant 0 : i32
      %dma_start3A_148 = tpu.memref_slice %arg4[%add3A_65, %dma_start3A_147] : memref<49152x128xf32, #tpu.memory_space<hbm>> -> memref<128x128xf32, #tpu.memory_space<hbm>>
      tpu.enqueue_dma source(%arg6 : memref<128x128xf32, #tpu.memory_space<vmem>>) target(%dma_start3A_148 : memref<128x128xf32, #tpu.memory_space<hbm>>) target_semaphore(%run_scoped3A : memref<!tpu.dma_semaphore, #tpu.memory_space<semaphore_mem>>)
      %dma_wait3A_149 = arith.constant 0 : i32
      %dma_wait3A_150 = tpu.memref_slice %arg4[%add3A_65, %dma_wait3A_149] : memref<49152x128xf32, #tpu.memory_space<hbm>> -> memref<128x128xf32, #tpu.memory_space<hbm>>
      %dma_wait3A_151 = arith.constant 0 : i32
      %dma_wait3A_152 = tpu.memref_slice %arg4[%add3A_65, %dma_wait3A_151] : memref<49152x128xf32, #tpu.memory_space<hbm>> -> memref<128x128xf32, #tpu.memory_space<hbm>>
      tpu.wait_dma2 semaphore(%run_scoped3A : memref<!tpu.dma_semaphore, #tpu.memory_space<semaphore_mem>>) src(%arg6 : memref<128x128xf32, #tpu.memory_space<vmem>>) dst(%dma_wait3A_152 : memref<128x128xf32, #tpu.memory_space<hbm>>)
      tpu.yield
    }) : () -> ()
    %dma_start3A_66 = arith.constant 768 : i32
    %dma_start3A_67 = tpu.memref_slice %arg5[%dma_start3A_66] : memref<1536xi32, #tpu.memory_space<vmem>> -> memref<128xi32, #tpu.memory_space<vmem>>
    %dma_start3A_68 = arith.constant 0 : i32
    %dma_start3A_69 = arith.constant 0 : i32
    %dma_start3A_70 = tpu.memref_slice %arg2[%dma_start3A_68, %dma_start3A_69] : memref<8192x128xf32, #tpu.memory_space<hbm>> -> memref<8192x128xf32, #tpu.memory_space<hbm>>
    tpu.enqueue_indirect_dma source(%dma_start3A_70 : memref<8192x128xf32, #tpu.memory_space<hbm>>) target(%arg6 : memref<128x128xf32, #tpu.memory_space<vmem>>) offsets(%dma_start3A_67 : memref<128xi32, #tpu.memory_space<vmem>>) semaphore(%arg8 : memref<!tpu.dma_semaphore, #tpu.memory_space<semaphore_mem>>)
    %dma_wait3A_71 = arith.constant 640 : i32
    %dma_wait3A_72 = tpu.memref_slice %arg5[%dma_wait3A_71] : memref<1536xi32, #tpu.memory_space<vmem>> -> memref<128xi32, #tpu.memory_space<vmem>>
    %dma_wait3A_73 = arith.constant 0 : i32
    %dma_wait3A_74 = arith.constant 0 : i32
    %dma_wait3A_75 = tpu.memref_slice %arg2[%dma_wait3A_73, %dma_wait3A_74] : memref<8192x128xf32, #tpu.memory_space<hbm>> -> memref<8192x128xf32, #tpu.memory_space<hbm>>
    tpu.wait_indirect_dma semaphore(%arg9 : memref<!tpu.dma_semaphore, #tpu.memory_space<semaphore_mem>>) src(%dma_wait3A_75 : memref<8192x128xf32, #tpu.memory_space<hbm>>) dst(%arg7 : memref<128x128xf32, #tpu.memory_space<vmem>>)
    %add3A_76 = arith.constant 640 : i32
    %add3A_77 = arith.addi %mul3A_2, %add3A_76 : i32
    "tpu.region"() ({
      %run_scoped3A = tpu.sem_alloc : memref<!tpu.dma_semaphore, #tpu.memory_space<semaphore_mem>>
      %dma_start3A_145 = arith.constant 0 : i32
      %dma_start3A_146 = tpu.memref_slice %arg4[%add3A_77, %dma_start3A_145] : memref<49152x128xf32, #tpu.memory_space<hbm>> -> memref<128x128xf32, #tpu.memory_space<hbm>>
      %dma_start3A_147 = arith.constant 0 : i32
      %dma_start3A_148 = tpu.memref_slice %arg4[%add3A_77, %dma_start3A_147] : memref<49152x128xf32, #tpu.memory_space<hbm>> -> memref<128x128xf32, #tpu.memory_space<hbm>>
      tpu.enqueue_dma source(%arg7 : memref<128x128xf32, #tpu.memory_space<vmem>>) target(%dma_start3A_148 : memref<128x128xf32, #tpu.memory_space<hbm>>) target_semaphore(%run_scoped3A : memref<!tpu.dma_semaphore, #tpu.memory_space<semaphore_mem>>)
      %dma_wait3A_149 = arith.constant 0 : i32
      %dma_wait3A_150 = tpu.memref_slice %arg4[%add3A_77, %dma_wait3A_149] : memref<49152x128xf32, #tpu.memory_space<hbm>> -> memref<128x128xf32, #tpu.memory_space<hbm>>
      %dma_wait3A_151 = arith.constant 0 : i32
      %dma_wait3A_152 = tpu.memref_slice %arg4[%add3A_77, %dma_wait3A_151] : memref<49152x128xf32, #tpu.memory_space<hbm>> -> memref<128x128xf32, #tpu.memory_space<hbm>>
      tpu.wait_dma2 semaphore(%run_scoped3A : memref<!tpu.dma_semaphore, #tpu.memory_space<semaphore_mem>>) src(%arg7 : memref<128x128xf32, #tpu.memory_space<vmem>>) dst(%dma_wait3A_152 : memref<128x128xf32, #tpu.memory_space<hbm>>)
      tpu.yield
    }) : () -> ()
    %dma_start3A_78 = arith.constant 896 : i32
    %dma_start3A_79 = tpu.memref_slice %arg5[%dma_start3A_78] : memref<1536xi32, #tpu.memory_space<vmem>> -> memref<128xi32, #tpu.memory_space<vmem>>
    %dma_start3A_80 = arith.constant 0 : i32
    %dma_start3A_81 = arith.constant 0 : i32
    %dma_start3A_82 = tpu.memref_slice %arg2[%dma_start3A_80, %dma_start3A_81] : memref<8192x128xf32, #tpu.memory_space<hbm>> -> memref<8192x128xf32, #tpu.memory_space<hbm>>
    tpu.enqueue_indirect_dma source(%dma_start3A_82 : memref<8192x128xf32, #tpu.memory_space<hbm>>) target(%arg7 : memref<128x128xf32, #tpu.memory_space<vmem>>) offsets(%dma_start3A_79 : memref<128xi32, #tpu.memory_space<vmem>>) semaphore(%arg9 : memref<!tpu.dma_semaphore, #tpu.memory_space<semaphore_mem>>)
    %dma_wait3A_83 = arith.constant 768 : i32
    %dma_wait3A_84 = tpu.memref_slice %arg5[%dma_wait3A_83] : memref<1536xi32, #tpu.memory_space<vmem>> -> memref<128xi32, #tpu.memory_space<vmem>>
    %dma_wait3A_85 = arith.constant 0 : i32
    %dma_wait3A_86 = arith.constant 0 : i32
    %dma_wait3A_87 = tpu.memref_slice %arg2[%dma_wait3A_85, %dma_wait3A_86] : memref<8192x128xf32, #tpu.memory_space<hbm>> -> memref<8192x128xf32, #tpu.memory_space<hbm>>
    tpu.wait_indirect_dma semaphore(%arg8 : memref<!tpu.dma_semaphore, #tpu.memory_space<semaphore_mem>>) src(%dma_wait3A_87 : memref<8192x128xf32, #tpu.memory_space<hbm>>) dst(%arg6 : memref<128x128xf32, #tpu.memory_space<vmem>>)
    %add3A_88 = arith.constant 768 : i32
    %add3A_89 = arith.addi %mul3A_2, %add3A_88 : i32
    "tpu.region"() ({
      %run_scoped3A = tpu.sem_alloc : memref<!tpu.dma_semaphore, #tpu.memory_space<semaphore_mem>>
      %dma_start3A_145 = arith.constant 0 : i32
      %dma_start3A_146 = tpu.memref_slice %arg4[%add3A_89, %dma_start3A_145] : memref<49152x128xf32, #tpu.memory_space<hbm>> -> memref<128x128xf32, #tpu.memory_space<hbm>>
      %dma_start3A_147 = arith.constant 0 : i32
      %dma_start3A_148 = tpu.memref_slice %arg4[%add3A_89, %dma_start3A_147] : memref<49152x128xf32, #tpu.memory_space<hbm>> -> memref<128x128xf32, #tpu.memory_space<hbm>>
      tpu.enqueue_dma source(%arg6 : memref<128x128xf32, #tpu.memory_space<vmem>>) target(%dma_start3A_148 : memref<128x128xf32, #tpu.memory_space<hbm>>) target_semaphore(%run_scoped3A : memref<!tpu.dma_semaphore, #tpu.memory_space<semaphore_mem>>)
      %dma_wait3A_149 = arith.constant 0 : i32
      %dma_wait3A_150 = tpu.memref_slice %arg4[%add3A_89, %dma_wait3A_149] : memref<49152x128xf32, #tpu.memory_space<hbm>> -> memref<128x128xf32, #tpu.memory_space<hbm>>
      %dma_wait3A_151 = arith.constant 0 : i32
      %dma_wait3A_152 = tpu.memref_slice %arg4[%add3A_89, %dma_wait3A_151] : memref<49152x128xf32, #tpu.memory_space<hbm>> -> memref<128x128xf32, #tpu.memory_space<hbm>>
      tpu.wait_dma2 semaphore(%run_scoped3A : memref<!tpu.dma_semaphore, #tpu.memory_space<semaphore_mem>>) src(%arg6 : memref<128x128xf32, #tpu.memory_space<vmem>>) dst(%dma_wait3A_152 : memref<128x128xf32, #tpu.memory_space<hbm>>)
      tpu.yield
    }) : () -> ()
    %dma_start3A_90 = arith.constant 1024 : i32
    %dma_start3A_91 = tpu.memref_slice %arg5[%dma_start3A_90] : memref<1536xi32, #tpu.memory_space<vmem>> -> memref<128xi32, #tpu.memory_space<vmem>>
    %dma_start3A_92 = arith.constant 0 : i32
    %dma_start3A_93 = arith.constant 0 : i32
    %dma_start3A_94 = tpu.memref_slice %arg2[%dma_start3A_92, %dma_start3A_93] : memref<8192x128xf32, #tpu.memory_space<hbm>> -> memref<8192x128xf32, #tpu.memory_space<hbm>>
    tpu.enqueue_indirect_dma source(%dma_start3A_94 : memref<8192x128xf32, #tpu.memory_space<hbm>>) target(%arg6 : memref<128x128xf32, #tpu.memory_space<vmem>>) offsets(%dma_start3A_91 : memref<128xi32, #tpu.memory_space<vmem>>) semaphore(%arg8 : memref<!tpu.dma_semaphore, #tpu.memory_space<semaphore_mem>>)
    %dma_wait3A_95 = arith.constant 896 : i32
    %dma_wait3A_96 = tpu.memref_slice %arg5[%dma_wait3A_95] : memref<1536xi32, #tpu.memory_space<vmem>> -> memref<128xi32, #tpu.memory_space<vmem>>
    %dma_wait3A_97 = arith.constant 0 : i32
    %dma_wait3A_98 = arith.constant 0 : i32
    %dma_wait3A_99 = tpu.memref_slice %arg2[%dma_wait3A_97, %dma_wait3A_98] : memref<8192x128xf32, #tpu.memory_space<hbm>> -> memref<8192x128xf32, #tpu.memory_space<hbm>>
    tpu.wait_indirect_dma semaphore(%arg9 : memref<!tpu.dma_semaphore, #tpu.memory_space<semaphore_mem>>) src(%dma_wait3A_99 : memref<8192x128xf32, #tpu.memory_space<hbm>>) dst(%arg7 : memref<128x128xf32, #tpu.memory_space<vmem>>)
    %add3A_100 = arith.constant 896 : i32
    %add3A_101 = arith.addi %mul3A_2, %add3A_100 : i32
    "tpu.region"() ({
      %run_scoped3A = tpu.sem_alloc : memref<!tpu.dma_semaphore, #tpu.memory_space<semaphore_mem>>
      %dma_start3A_145 = arith.constant 0 : i32
      %dma_start3A_146 = tpu.memref_slice %arg4[%add3A_101, %dma_start3A_145] : memref<49152x128xf32, #tpu.memory_space<hbm>> -> memref<128x128xf32, #tpu.memory_space<hbm>>
      %dma_start3A_147 = arith.constant 0 : i32
      %dma_start3A_148 = tpu.memref_slice %arg4[%add3A_101, %dma_start3A_147] : memref<49152x128xf32, #tpu.memory_space<hbm>> -> memref<128x128xf32, #tpu.memory_space<hbm>>
      tpu.enqueue_dma source(%arg7 : memref<128x128xf32, #tpu.memory_space<vmem>>) target(%dma_start3A_148 : memref<128x128xf32, #tpu.memory_space<hbm>>) target_semaphore(%run_scoped3A : memref<!tpu.dma_semaphore, #tpu.memory_space<semaphore_mem>>)
      %dma_wait3A_149 = arith.constant 0 : i32
      %dma_wait3A_150 = tpu.memref_slice %arg4[%add3A_101, %dma_wait3A_149] : memref<49152x128xf32, #tpu.memory_space<hbm>> -> memref<128x128xf32, #tpu.memory_space<hbm>>
      %dma_wait3A_151 = arith.constant 0 : i32
      %dma_wait3A_152 = tpu.memref_slice %arg4[%add3A_101, %dma_wait3A_151] : memref<49152x128xf32, #tpu.memory_space<hbm>> -> memref<128x128xf32, #tpu.memory_space<hbm>>
      tpu.wait_dma2 semaphore(%run_scoped3A : memref<!tpu.dma_semaphore, #tpu.memory_space<semaphore_mem>>) src(%arg7 : memref<128x128xf32, #tpu.memory_space<vmem>>) dst(%dma_wait3A_152 : memref<128x128xf32, #tpu.memory_space<hbm>>)
      tpu.yield
    }) : () -> ()
    %dma_start3A_102 = arith.constant 1152 : i32
    %dma_start3A_103 = tpu.memref_slice %arg5[%dma_start3A_102] : memref<1536xi32, #tpu.memory_space<vmem>> -> memref<128xi32, #tpu.memory_space<vmem>>
    %dma_start3A_104 = arith.constant 0 : i32
    %dma_start3A_105 = arith.constant 0 : i32
    %dma_start3A_106 = tpu.memref_slice %arg2[%dma_start3A_104, %dma_start3A_105] : memref<8192x128xf32, #tpu.memory_space<hbm>> -> memref<8192x128xf32, #tpu.memory_space<hbm>>
    tpu.enqueue_indirect_dma source(%dma_start3A_106 : memref<8192x128xf32, #tpu.memory_space<hbm>>) target(%arg7 : memref<128x128xf32, #tpu.memory_space<vmem>>) offsets(%dma_start3A_103 : memref<128xi32, #tpu.memory_space<vmem>>) semaphore(%arg9 : memref<!tpu.dma_semaphore, #tpu.memory_space<semaphore_mem>>)
    %dma_wait3A_107 = arith.constant 1024 : i32
    %dma_wait3A_108 = tpu.memref_slice %arg5[%dma_wait3A_107] : memref<1536xi32, #tpu.memory_space<vmem>> -> memref<128xi32, #tpu.memory_space<vmem>>
    %dma_wait3A_109 = arith.constant 0 : i32
    %dma_wait3A_110 = arith.constant 0 : i32
    %dma_wait3A_111 = tpu.memref_slice %arg2[%dma_wait3A_109, %dma_wait3A_110] : memref<8192x128xf32, #tpu.memory_space<hbm>> -> memref<8192x128xf32, #tpu.memory_space<hbm>>
    tpu.wait_indirect_dma semaphore(%arg8 : memref<!tpu.dma_semaphore, #tpu.memory_space<semaphore_mem>>) src(%dma_wait3A_111 : memref<8192x128xf32, #tpu.memory_space<hbm>>) dst(%arg6 : memref<128x128xf32, #tpu.memory_space<vmem>>)
    %add3A_112 = arith.constant 1024 : i32
    %add3A_113 = arith.addi %mul3A_2, %add3A_112 : i32
    "tpu.region"() ({
      %run_scoped3A = tpu.sem_alloc : memref<!tpu.dma_semaphore, #tpu.memory_space<semaphore_mem>>
      %dma_start3A_145 = arith.constant 0 : i32
      %dma_start3A_146 = tpu.memref_slice %arg4[%add3A_113, %dma_start3A_145] : memref<49152x128xf32, #tpu.memory_space<hbm>> -> memref<128x128xf32, #tpu.memory_space<hbm>>
      %dma_start3A_147 = arith.constant 0 : i32
      %dma_start3A_148 = tpu.memref_slice %arg4[%add3A_113, %dma_start3A_147] : memref<49152x128xf32, #tpu.memory_space<hbm>> -> memref<128x128xf32, #tpu.memory_space<hbm>>
      tpu.enqueue_dma source(%arg6 : memref<128x128xf32, #tpu.memory_space<vmem>>) target(%dma_start3A_148 : memref<128x128xf32, #tpu.memory_space<hbm>>) target_semaphore(%run_scoped3A : memref<!tpu.dma_semaphore, #tpu.memory_space<semaphore_mem>>)
      %dma_wait3A_149 = arith.constant 0 : i32
      %dma_wait3A_150 = tpu.memref_slice %arg4[%add3A_113, %dma_wait3A_149] : memref<49152x128xf32, #tpu.memory_space<hbm>> -> memref<128x128xf32, #tpu.memory_space<hbm>>
      %dma_wait3A_151 = arith.constant 0 : i32
      %dma_wait3A_152 = tpu.memref_slice %arg4[%add3A_113, %dma_wait3A_151] : memref<49152x128xf32, #tpu.memory_space<hbm>> -> memref<128x128xf32, #tpu.memory_space<hbm>>
      tpu.wait_dma2 semaphore(%run_scoped3A : memref<!tpu.dma_semaphore, #tpu.memory_space<semaphore_mem>>) src(%arg6 : memref<128x128xf32, #tpu.memory_space<vmem>>) dst(%dma_wait3A_152 : memref<128x128xf32, #tpu.memory_space<hbm>>)
      tpu.yield
    }) : () -> ()
    %dma_start3A_114 = arith.constant 1280 : i32
    %dma_start3A_115 = tpu.memref_slice %arg5[%dma_start3A_114] : memref<1536xi32, #tpu.memory_space<vmem>> -> memref<128xi32, #tpu.memory_space<vmem>>
    %dma_start3A_116 = arith.constant 0 : i32
    %dma_start3A_117 = arith.constant 0 : i32
    %dma_start3A_118 = tpu.memref_slice %arg2[%dma_start3A_116, %dma_start3A_117] : memref<8192x128xf32, #tpu.memory_space<hbm>> -> memref<8192x128xf32, #tpu.memory_space<hbm>>
    tpu.enqueue_indirect_dma source(%dma_start3A_118 : memref<8192x128xf32, #tpu.memory_space<hbm>>) target(%arg6 : memref<128x128xf32, #tpu.memory_space<vmem>>) offsets(%dma_start3A_115 : memref<128xi32, #tpu.memory_space<vmem>>) semaphore(%arg8 : memref<!tpu.dma_semaphore, #tpu.memory_space<semaphore_mem>>)
    %dma_wait3A_119 = arith.constant 1152 : i32
    %dma_wait3A_120 = tpu.memref_slice %arg5[%dma_wait3A_119] : memref<1536xi32, #tpu.memory_space<vmem>> -> memref<128xi32, #tpu.memory_space<vmem>>
    %dma_wait3A_121 = arith.constant 0 : i32
    %dma_wait3A_122 = arith.constant 0 : i32
    %dma_wait3A_123 = tpu.memref_slice %arg2[%dma_wait3A_121, %dma_wait3A_122] : memref<8192x128xf32, #tpu.memory_space<hbm>> -> memref<8192x128xf32, #tpu.memory_space<hbm>>
    tpu.wait_indirect_dma semaphore(%arg9 : memref<!tpu.dma_semaphore, #tpu.memory_space<semaphore_mem>>) src(%dma_wait3A_123 : memref<8192x128xf32, #tpu.memory_space<hbm>>) dst(%arg7 : memref<128x128xf32, #tpu.memory_space<vmem>>)
    %add3A_124 = arith.constant 1152 : i32
    %add3A_125 = arith.addi %mul3A_2, %add3A_124 : i32
    "tpu.region"() ({
      %run_scoped3A = tpu.sem_alloc : memref<!tpu.dma_semaphore, #tpu.memory_space<semaphore_mem>>
      %dma_start3A_145 = arith.constant 0 : i32
      %dma_start3A_146 = tpu.memref_slice %arg4[%add3A_125, %dma_start3A_145] : memref<49152x128xf32, #tpu.memory_space<hbm>> -> memref<128x128xf32, #tpu.memory_space<hbm>>
      %dma_start3A_147 = arith.constant 0 : i32
      %dma_start3A_148 = tpu.memref_slice %arg4[%add3A_125, %dma_start3A_147] : memref<49152x128xf32, #tpu.memory_space<hbm>> -> memref<128x128xf32, #tpu.memory_space<hbm>>
      tpu.enqueue_dma source(%arg7 : memref<128x128xf32, #tpu.memory_space<vmem>>) target(%dma_start3A_148 : memref<128x128xf32, #tpu.memory_space<hbm>>) target_semaphore(%run_scoped3A : memref<!tpu.dma_semaphore, #tpu.memory_space<semaphore_mem>>)
      %dma_wait3A_149 = arith.constant 0 : i32
      %dma_wait3A_150 = tpu.memref_slice %arg4[%add3A_125, %dma_wait3A_149] : memref<49152x128xf32, #tpu.memory_space<hbm>> -> memref<128x128xf32, #tpu.memory_space<hbm>>
      %dma_wait3A_151 = arith.constant 0 : i32
      %dma_wait3A_152 = tpu.memref_slice %arg4[%add3A_125, %dma_wait3A_151] : memref<49152x128xf32, #tpu.memory_space<hbm>> -> memref<128x128xf32, #tpu.memory_space<hbm>>
      tpu.wait_dma2 semaphore(%run_scoped3A : memref<!tpu.dma_semaphore, #tpu.memory_space<semaphore_mem>>) src(%arg7 : memref<128x128xf32, #tpu.memory_space<vmem>>) dst(%dma_wait3A_152 : memref<128x128xf32, #tpu.memory_space<hbm>>)
      tpu.yield
    }) : () -> ()
    %dma_start3A_126 = arith.constant 1408 : i32
    %dma_start3A_127 = tpu.memref_slice %arg5[%dma_start3A_126] : memref<1536xi32, #tpu.memory_space<vmem>> -> memref<128xi32, #tpu.memory_space<vmem>>
    %dma_start3A_128 = arith.constant 0 : i32
    %dma_start3A_129 = arith.constant 0 : i32
    %dma_start3A_130 = tpu.memref_slice %arg2[%dma_start3A_128, %dma_start3A_129] : memref<8192x128xf32, #tpu.memory_space<hbm>> -> memref<8192x128xf32, #tpu.memory_space<hbm>>
    tpu.enqueue_indirect_dma source(%dma_start3A_130 : memref<8192x128xf32, #tpu.memory_space<hbm>>) target(%arg7 : memref<128x128xf32, #tpu.memory_space<vmem>>) offsets(%dma_start3A_127 : memref<128xi32, #tpu.memory_space<vmem>>) semaphore(%arg9 : memref<!tpu.dma_semaphore, #tpu.memory_space<semaphore_mem>>)
    %dma_wait3A_131 = arith.constant 1280 : i32
    %dma_wait3A_132 = tpu.memref_slice %arg5[%dma_wait3A_131] : memref<1536xi32, #tpu.memory_space<vmem>> -> memref<128xi32, #tpu.memory_space<vmem>>
    %dma_wait3A_133 = arith.constant 0 : i32
    %dma_wait3A_134 = arith.constant 0 : i32
    %dma_wait3A_135 = tpu.memref_slice %arg2[%dma_wait3A_133, %dma_wait3A_134] : memref<8192x128xf32, #tpu.memory_space<hbm>> -> memref<8192x128xf32, #tpu.memory_space<hbm>>
    tpu.wait_indirect_dma semaphore(%arg8 : memref<!tpu.dma_semaphore, #tpu.memory_space<semaphore_mem>>) src(%dma_wait3A_135 : memref<8192x128xf32, #tpu.memory_space<hbm>>) dst(%arg6 : memref<128x128xf32, #tpu.memory_space<vmem>>)
    %add3A_136 = arith.constant 1280 : i32
    %add3A_137 = arith.addi %mul3A_2, %add3A_136 : i32
    "tpu.region"() ({
      %run_scoped3A = tpu.sem_alloc : memref<!tpu.dma_semaphore, #tpu.memory_space<semaphore_mem>>
      %dma_start3A_145 = arith.constant 0 : i32
      %dma_start3A_146 = tpu.memref_slice %arg4[%add3A_137, %dma_start3A_145] : memref<49152x128xf32, #tpu.memory_space<hbm>> -> memref<128x128xf32, #tpu.memory_space<hbm>>
      %dma_start3A_147 = arith.constant 0 : i32
      %dma_start3A_148 = tpu.memref_slice %arg4[%add3A_137, %dma_start3A_147] : memref<49152x128xf32, #tpu.memory_space<hbm>> -> memref<128x128xf32, #tpu.memory_space<hbm>>
      tpu.enqueue_dma source(%arg6 : memref<128x128xf32, #tpu.memory_space<vmem>>) target(%dma_start3A_148 : memref<128x128xf32, #tpu.memory_space<hbm>>) target_semaphore(%run_scoped3A : memref<!tpu.dma_semaphore, #tpu.memory_space<semaphore_mem>>)
      %dma_wait3A_149 = arith.constant 0 : i32
      %dma_wait3A_150 = tpu.memref_slice %arg4[%add3A_137, %dma_wait3A_149] : memref<49152x128xf32, #tpu.memory_space<hbm>> -> memref<128x128xf32, #tpu.memory_space<hbm>>
      %dma_wait3A_151 = arith.constant 0 : i32
      %dma_wait3A_152 = tpu.memref_slice %arg4[%add3A_137, %dma_wait3A_151] : memref<49152x128xf32, #tpu.memory_space<hbm>> -> memref<128x128xf32, #tpu.memory_space<hbm>>
      tpu.wait_dma2 semaphore(%run_scoped3A : memref<!tpu.dma_semaphore, #tpu.memory_space<semaphore_mem>>) src(%arg6 : memref<128x128xf32, #tpu.memory_space<vmem>>) dst(%dma_wait3A_152 : memref<128x128xf32, #tpu.memory_space<hbm>>)
      tpu.yield
    }) : () -> ()
    %dma_wait3A_138 = arith.constant 1408 : i32
    %dma_wait3A_139 = tpu.memref_slice %arg5[%dma_wait3A_138] : memref<1536xi32, #tpu.memory_space<vmem>> -> memref<128xi32, #tpu.memory_space<vmem>>
    %dma_wait3A_140 = arith.constant 0 : i32
    %dma_wait3A_141 = arith.constant 0 : i32
    %dma_wait3A_142 = tpu.memref_slice %arg2[%dma_wait3A_140, %dma_wait3A_141] : memref<8192x128xf32, #tpu.memory_space<hbm>> -> memref<8192x128xf32, #tpu.memory_space<hbm>>
    tpu.wait_indirect_dma semaphore(%arg9 : memref<!tpu.dma_semaphore, #tpu.memory_space<semaphore_mem>>) src(%dma_wait3A_142 : memref<8192x128xf32, #tpu.memory_space<hbm>>) dst(%arg7 : memref<128x128xf32, #tpu.memory_space<vmem>>)
    %add3A_143 = arith.constant 1408 : i32
    %add3A_144 = arith.addi %mul3A_2, %add3A_143 : i32
    "tpu.region"() ({
      %run_scoped3A = tpu.sem_alloc : memref<!tpu.dma_semaphore, #tpu.memory_space<semaphore_mem>>
      %dma_start3A_145 = arith.constant 0 : i32
      %dma_start3A_146 = tpu.memref_slice %arg4[%add3A_144, %dma_start3A_145] : memref<49152x128xf32, #tpu.memory_space<hbm>> -> memref<128x128xf32, #tpu.memory_space<hbm>>
      %dma_start3A_147 = arith.constant 0 : i32
      %dma_start3A_148 = tpu.memref_slice %arg4[%add3A_144, %dma_start3A_147] : memref<49152x128xf32, #tpu.memory_space<hbm>> -> memref<128x128xf32, #tpu.memory_space<hbm>>
      tpu.enqueue_dma source(%arg7 : memref<128x128xf32, #tpu.memory_space<vmem>>) target(%dma_start3A_148 : memref<128x128xf32, #tpu.memory_space<hbm>>) target_semaphore(%run_scoped3A : memref<!tpu.dma_semaphore, #tpu.memory_space<semaphore_mem>>)
      %dma_wait3A_149 = arith.constant 0 : i32
      %dma_wait3A_150 = tpu.memref_slice %arg4[%add3A_144, %dma_wait3A_149] : memref<49152x128xf32, #tpu.memory_space<hbm>> -> memref<128x128xf32, #tpu.memory_space<hbm>>
      %dma_wait3A_151 = arith.constant 0 : i32
      %dma_wait3A_152 = tpu.memref_slice %arg4[%add3A_144, %dma_wait3A_151] : memref<49152x128xf32, #tpu.memory_space<hbm>> -> memref<128x128xf32, #tpu.memory_space<hbm>>
      tpu.wait_dma2 semaphore(%run_scoped3A : memref<!tpu.dma_semaphore, #tpu.memory_space<semaphore_mem>>) src(%arg7 : memref<128x128xf32, #tpu.memory_space<vmem>>) dst(%dma_wait3A_152 : memref<128x128xf32, #tpu.memory_space<hbm>>)
      tpu.yield
    }) : () -> ()
    return
  }
}

module attributes {stable_mosaic.version = 14 : i64} {
  func.func @_knn_proj_kernel(%arg0: i32, %arg1: i32, %arg2: memref<1x512x3xf32, #tpu.memory_space<vmem>>, %arg3: memref<1x3x2048xf32, #tpu.memory_space<vmem>>, %arg4: memref<1x512x64xf32, #tpu.memory_space<vmem>>, %arg5: memref<64x64xf32, #tpu.memory_space<vmem>>, %arg6: memref<1x64xf32, #tpu.memory_space<vmem>>, %arg7: memref<64x64xf32, #tpu.memory_space<vmem>>, %arg8: memref<1x64xf32, #tpu.memory_space<vmem>>, %arg9: memref<64x64xf32, #tpu.memory_space<vmem>>, %arg10: memref<1x64xf32, #tpu.memory_space<vmem>>, %arg11: memref<1x512x64xf32, #tpu.memory_space<vmem>>, %arg12: memref<1x512x128xf32, #tpu.memory_space<vmem>>, %arg13: memref<1x512x6xi32, #tpu.memory_space<vmem>>) attributes {dimension_semantics = [#tpu.dimension_semantics<arbitrary>, #tpu.dimension_semantics<arbitrary>], iteration_bounds = array<i64: 4, 4>, scalar_prefetch = 0 : i64, scratch_operands = 0 : i64, tpu.core_type = #tpu.core_type<tc>, window_params = [{transform_indices = @transform_0, window_bounds = array<i64: 1, 512, 3>}, {transform_indices = @transform_1, window_bounds = array<i64: 1, 3, 2048>}, {transform_indices = @transform_2, window_bounds = array<i64: 1, 512, 64>}, {pipeline_mode = #tpu.pipeline_mode<synchronous>, transform_indices = @transform_3, window_bounds = array<i64: 64, 64>}, {pipeline_mode = #tpu.pipeline_mode<synchronous>, transform_indices = @transform_4, window_bounds = array<i64: 1, 64>}, {pipeline_mode = #tpu.pipeline_mode<synchronous>, transform_indices = @transform_5, window_bounds = array<i64: 64, 64>}, {pipeline_mode = #tpu.pipeline_mode<synchronous>, transform_indices = @transform_6, window_bounds = array<i64: 1, 64>}, {pipeline_mode = #tpu.pipeline_mode<synchronous>, transform_indices = @transform_7, window_bounds = array<i64: 64, 64>}, {pipeline_mode = #tpu.pipeline_mode<synchronous>, transform_indices = @transform_8, window_bounds = array<i64: 1, 64>}, {transform_indices = @transform_9, window_bounds = array<i64: 1, 512, 64>}, {transform_indices = @transform_10, window_bounds = array<i64: 1, 512, 128>}, {transform_indices = @transform_11, window_bounds = array<i64: 1, 512, 6>}]} {
    %get3A = arith.constant 0 : index
    %get3A_0 = arith.constant 0 : index
    %get3A_1 = arith.constant 0 : index
    %get3A_2 = vector.load %arg2[%get3A, %get3A_0, %get3A_1] : memref<1x512x3xf32, #tpu.memory_space<vmem>>, vector<1x512x3xf32>
    %get3A_3 = vector.shape_cast %get3A_2 : vector<1x512x3xf32> to vector<512x3xf32>
    %get3A_4 = arith.constant 0 : index
    %get3A_5 = arith.constant 0 : index
    %get3A_6 = arith.constant 0 : index
    %get3A_7 = vector.load %arg3[%get3A_4, %get3A_5, %get3A_6] : memref<1x3x2048xf32, #tpu.memory_space<vmem>>, vector<1x3x2048xf32>
    %get3A_8 = vector.shape_cast %get3A_7 : vector<1x3x2048xf32> to vector<3x2048xf32>
    %mul3A = arith.mulf %get3A_3, %get3A_3 : vector<512x3xf32>
    %reduce_sum3A = arith.constant dense<0.000000e+00> : vector<512xf32>
    %reduce_sum3A_9 = vector.multi_reduction <add>, %mul3A, %reduce_sum3A [1] : vector<512x3xf32> to vector<512xf32>
    %broadcast_in_dim3A = vector.shape_cast %reduce_sum3A_9 : vector<512xf32> to vector<512x1xf32>
    %mul3A_10 = arith.mulf %get3A_8, %get3A_8 : vector<3x2048xf32>
    %reduce_sum3A_11 = arith.constant dense<0.000000e+00> : vector<2048xf32>
    %reduce_sum3A_12 = vector.multi_reduction <add>, %mul3A_10, %reduce_sum3A_11 [0] : vector<3x2048xf32> to vector<2048xf32>
    %broadcast_in_dim3A_13 = vector.shape_cast %reduce_sum3A_12 : vector<2048xf32> to vector<1x2048xf32>
    %convert_element_type3A = arith.truncf %get3A_3 : vector<512x3xf32> to vector<512x3xbf16>
    %convert_element_type3A_14 = arith.extf %convert_element_type3A : vector<512x3xbf16> to vector<512x3xf32>
    %mul3A_15 = arith.constant -2.000000e+00 : f32
    %mul3A_16 = vector.broadcast %mul3A_15 : f32 to vector<512x3xf32>
    %mul3A_17 = arith.mulf %mul3A_16, %convert_element_type3A_14 : vector<512x3xf32>
    %convert_element_type3A_18 = arith.truncf %mul3A_17 : vector<512x3xf32> to vector<512x3xbf16>
    %convert_element_type3A_19 = arith.truncf %get3A_8 : vector<3x2048xf32> to vector<3x2048xbf16>
    %dot_general3A = arith.constant dense<0.000000e+00> : vector<512x2048xf32>
    %dot_general3A_20 = tpu.matmul %convert_element_type3A_18, %convert_element_type3A_19, %dot_general3A {dimension_numbers = #tpu.dot_dimension_numbers<[1], [0], [0], [1], [0, 0, 1, 1], [], []>, transpose_lhs_hint = false} : vector<512x3xbf16>, vector<3x2048xbf16>, vector<512x2048xf32> -> vector<512x2048xf32>
    %add3A = vector.broadcast %broadcast_in_dim3A : vector<512x1xf32> to vector<512x2048xf32>
    %add3A_21 = vector.broadcast %broadcast_in_dim3A_13 : vector<1x2048xf32> to vector<512x2048xf32>
    %add3A_22 = arith.addf %add3A, %add3A_21 : vector<512x2048xf32>
    %add3A_23 = arith.addf %add3A_22, %dot_general3A_20 : vector<512x2048xf32>
    %max3A = arith.constant 0.000000e+00 : f32
    %max3A_24 = vector.broadcast %max3A : f32 to vector<512x2048xf32>
    %max3A_25 = arith.maximumf %add3A_23, %max3A_24 : vector<512x2048xf32>
    %sqrt3A = math.sqrt %max3A_25 : vector<512x2048xf32>
    %iota3A = tpu.iota {dimensions = array<i32: 1>} : vector<512x2048xi32>
    %convert_element_type3A_26 = arith.sitofp %iota3A : vector<512x2048xi32> to vector<512x2048xf32>
    %reduce_min3A = arith.constant dense<0x7F800000> : vector<512xf32>
    %reduce_min3A_27 = vector.multi_reduction <minimumf>, %sqrt3A, %reduce_min3A [1] : vector<512x2048xf32> to vector<512xf32>
    %broadcast_in_dim3A_28 = vector.shape_cast %reduce_min3A_27 : vector<512xf32> to vector<512x1xf32>
    %eq3A = vector.broadcast %broadcast_in_dim3A_28 : vector<512x1xf32> to vector<512x2048xf32>
    %eq3A_29 = arith.cmpf oeq, %sqrt3A, %eq3A : vector<512x2048xf32>
    %jit3A = arith.constant 4.096000e+03 : f32
    %broadcast_in_dim3A_30 = vector.broadcast %jit3A : f32 to vector<512x2048xf32>
    %select_n3A = arith.select %eq3A_29, %convert_element_type3A_26, %broadcast_in_dim3A_30 : vector<512x2048xi1>, vector<512x2048xf32>
    %reduce_min3A_31 = arith.constant dense<0x7F800000> : vector<512xf32>
    %reduce_min3A_32 = vector.multi_reduction <minimumf>, %select_n3A, %reduce_min3A_31 [1] : vector<512x2048xf32> to vector<512xf32>
    %broadcast_in_dim3A_33 = vector.shape_cast %reduce_min3A_32 : vector<512xf32> to vector<512x1xf32>
    %eq3A_34 = vector.broadcast %broadcast_in_dim3A_33 : vector<512x1xf32> to vector<512x2048xf32>
    %eq3A_35 = arith.cmpf oeq, %select_n3A, %eq3A_34 : vector<512x2048xf32>
    %jit3A_36 = arith.constant 0x7F800000 : f32
    %broadcast_in_dim3A_37 = vector.broadcast %jit3A_36 : f32 to vector<512x2048xf32>
    %select_n3A_38 = arith.select %eq3A_35, %broadcast_in_dim3A_37, %sqrt3A : vector<512x2048xi1>, vector<512x2048xf32>
    %reduce_min3A_39 = arith.constant dense<0x7F800000> : vector<512xf32>
    %reduce_min3A_40 = vector.multi_reduction <minimumf>, %select_n3A_38, %reduce_min3A_39 [1] : vector<512x2048xf32> to vector<512xf32>
    %broadcast_in_dim3A_41 = vector.shape_cast %reduce_min3A_40 : vector<512xf32> to vector<512x1xf32>
    %eq3A_42 = vector.broadcast %broadcast_in_dim3A_41 : vector<512x1xf32> to vector<512x2048xf32>
    %eq3A_43 = arith.cmpf oeq, %select_n3A_38, %eq3A_42 : vector<512x2048xf32>
    %jit3A_44 = arith.constant 4.096000e+03 : f32
    %broadcast_in_dim3A_45 = vector.broadcast %jit3A_44 : f32 to vector<512x2048xf32>
    %select_n3A_46 = arith.select %eq3A_43, %convert_element_type3A_26, %broadcast_in_dim3A_45 : vector<512x2048xi1>, vector<512x2048xf32>
    %reduce_min3A_47 = arith.constant dense<0x7F800000> : vector<512xf32>
    %reduce_min3A_48 = vector.multi_reduction <minimumf>, %select_n3A_46, %reduce_min3A_47 [1] : vector<512x2048xf32> to vector<512xf32>
    %broadcast_in_dim3A_49 = vector.shape_cast %reduce_min3A_48 : vector<512xf32> to vector<512x1xf32>
    %eq3A_50 = vector.broadcast %broadcast_in_dim3A_49 : vector<512x1xf32> to vector<512x2048xf32>
    %eq3A_51 = arith.cmpf oeq, %select_n3A_46, %eq3A_50 : vector<512x2048xf32>
    %jit3A_52 = arith.constant 0x7F800000 : f32
    %broadcast_in_dim3A_53 = vector.broadcast %jit3A_52 : f32 to vector<512x2048xf32>
    %select_n3A_54 = arith.select %eq3A_51, %broadcast_in_dim3A_53, %select_n3A_38 : vector<512x2048xi1>, vector<512x2048xf32>
    %reduce_min3A_55 = arith.constant dense<0x7F800000> : vector<512xf32>
    %reduce_min3A_56 = vector.multi_reduction <minimumf>, %select_n3A_54, %reduce_min3A_55 [1] : vector<512x2048xf32> to vector<512xf32>
    %broadcast_in_dim3A_57 = vector.shape_cast %reduce_min3A_56 : vector<512xf32> to vector<512x1xf32>
    %eq3A_58 = vector.broadcast %broadcast_in_dim3A_57 : vector<512x1xf32> to vector<512x2048xf32>
    %eq3A_59 = arith.cmpf oeq, %select_n3A_54, %eq3A_58 : vector<512x2048xf32>
    %jit3A_60 = arith.constant 4.096000e+03 : f32
    %broadcast_in_dim3A_61 = vector.broadcast %jit3A_60 : f32 to vector<512x2048xf32>
    %select_n3A_62 = arith.select %eq3A_59, %convert_element_type3A_26, %broadcast_in_dim3A_61 : vector<512x2048xi1>, vector<512x2048xf32>
    %reduce_min3A_63 = arith.constant dense<0x7F800000> : vector<512xf32>
    %reduce_min3A_64 = vector.multi_reduction <minimumf>, %select_n3A_62, %reduce_min3A_63 [1] : vector<512x2048xf32> to vector<512xf32>
    %broadcast_in_dim3A_65 = vector.shape_cast %reduce_min3A_64 : vector<512xf32> to vector<512x1xf32>
    %eq3A_66 = vector.broadcast %broadcast_in_dim3A_65 : vector<512x1xf32> to vector<512x2048xf32>
    %eq3A_67 = arith.cmpf oeq, %select_n3A_62, %eq3A_66 : vector<512x2048xf32>
    %jit3A_68 = arith.constant 0x7F800000 : f32
    %broadcast_in_dim3A_69 = vector.broadcast %jit3A_68 : f32 to vector<512x2048xf32>
    %select_n3A_70 = arith.select %eq3A_67, %broadcast_in_dim3A_69, %select_n3A_54 : vector<512x2048xi1>, vector<512x2048xf32>
    %reduce_min3A_71 = arith.constant dense<0x7F800000> : vector<512xf32>
    %reduce_min3A_72 = vector.multi_reduction <minimumf>, %select_n3A_70, %reduce_min3A_71 [1] : vector<512x2048xf32> to vector<512xf32>
    %broadcast_in_dim3A_73 = vector.shape_cast %reduce_min3A_72 : vector<512xf32> to vector<512x1xf32>
    %eq3A_74 = vector.broadcast %broadcast_in_dim3A_73 : vector<512x1xf32> to vector<512x2048xf32>
    %eq3A_75 = arith.cmpf oeq, %select_n3A_70, %eq3A_74 : vector<512x2048xf32>
    %jit3A_76 = arith.constant 4.096000e+03 : f32
    %broadcast_in_dim3A_77 = vector.broadcast %jit3A_76 : f32 to vector<512x2048xf32>
    %select_n3A_78 = arith.select %eq3A_75, %convert_element_type3A_26, %broadcast_in_dim3A_77 : vector<512x2048xi1>, vector<512x2048xf32>
    %reduce_min3A_79 = arith.constant dense<0x7F800000> : vector<512xf32>
    %reduce_min3A_80 = vector.multi_reduction <minimumf>, %select_n3A_78, %reduce_min3A_79 [1] : vector<512x2048xf32> to vector<512xf32>
    %broadcast_in_dim3A_81 = vector.shape_cast %reduce_min3A_80 : vector<512xf32> to vector<512x1xf32>
    %eq3A_82 = vector.broadcast %broadcast_in_dim3A_81 : vector<512x1xf32> to vector<512x2048xf32>
    %eq3A_83 = arith.cmpf oeq, %select_n3A_78, %eq3A_82 : vector<512x2048xf32>
    %jit3A_84 = arith.constant 0x7F800000 : f32
    %broadcast_in_dim3A_85 = vector.broadcast %jit3A_84 : f32 to vector<512x2048xf32>
    %select_n3A_86 = arith.select %eq3A_83, %broadcast_in_dim3A_85, %select_n3A_70 : vector<512x2048xi1>, vector<512x2048xf32>
    %reduce_min3A_87 = arith.constant dense<0x7F800000> : vector<512xf32>
    %reduce_min3A_88 = vector.multi_reduction <minimumf>, %select_n3A_86, %reduce_min3A_87 [1] : vector<512x2048xf32> to vector<512xf32>
    %broadcast_in_dim3A_89 = vector.shape_cast %reduce_min3A_88 : vector<512xf32> to vector<512x1xf32>
    %eq3A_90 = vector.broadcast %broadcast_in_dim3A_89 : vector<512x1xf32> to vector<512x2048xf32>
    %eq3A_91 = arith.cmpf oeq, %select_n3A_86, %eq3A_90 : vector<512x2048xf32>
    %jit3A_92 = arith.constant 4.096000e+03 : f32
    %broadcast_in_dim3A_93 = vector.broadcast %jit3A_92 : f32 to vector<512x2048xf32>
    %select_n3A_94 = arith.select %eq3A_91, %convert_element_type3A_26, %broadcast_in_dim3A_93 : vector<512x2048xi1>, vector<512x2048xf32>
    %reduce_min3A_95 = arith.constant dense<0x7F800000> : vector<512xf32>
    %reduce_min3A_96 = vector.multi_reduction <minimumf>, %select_n3A_94, %reduce_min3A_95 [1] : vector<512x2048xf32> to vector<512xf32>
    %broadcast_in_dim3A_97 = vector.shape_cast %reduce_min3A_96 : vector<512xf32> to vector<512x1xf32>
    %eq3A_98 = vector.broadcast %broadcast_in_dim3A_97 : vector<512x1xf32> to vector<512x2048xf32>
    %eq3A_99 = arith.cmpf oeq, %select_n3A_94, %eq3A_98 : vector<512x2048xf32>
    %jit3A_100 = arith.constant 0x7F800000 : f32
    %broadcast_in_dim3A_101 = vector.broadcast %jit3A_100 : f32 to vector<512x2048xf32>
    %select_n3A_102 = arith.select %eq3A_99, %broadcast_in_dim3A_101, %select_n3A_86 : vector<512x2048xi1>, vector<512x2048xf32>
    %reduce_min3A_103 = arith.constant dense<0x7F800000> : vector<512xf32>
    %reduce_min3A_104 = vector.multi_reduction <minimumf>, %select_n3A_102, %reduce_min3A_103 [1] : vector<512x2048xf32> to vector<512xf32>
    %broadcast_in_dim3A_105 = vector.shape_cast %reduce_min3A_104 : vector<512xf32> to vector<512x1xf32>
    %eq3A_106 = vector.broadcast %broadcast_in_dim3A_105 : vector<512x1xf32> to vector<512x2048xf32>
    %eq3A_107 = arith.cmpf oeq, %select_n3A_102, %eq3A_106 : vector<512x2048xf32>
    %jit3A_108 = arith.constant 4.096000e+03 : f32
    %broadcast_in_dim3A_109 = vector.broadcast %jit3A_108 : f32 to vector<512x2048xf32>
    %select_n3A_110 = arith.select %eq3A_107, %convert_element_type3A_26, %broadcast_in_dim3A_109 : vector<512x2048xi1>, vector<512x2048xf32>
    %reduce_min3A_111 = arith.constant dense<0x7F800000> : vector<512xf32>
    %reduce_min3A_112 = vector.multi_reduction <minimumf>, %select_n3A_110, %reduce_min3A_111 [1] : vector<512x2048xf32> to vector<512xf32>
    %broadcast_in_dim3A_113 = vector.shape_cast %reduce_min3A_112 : vector<512xf32> to vector<512x1xf32>
    %concatenate3A = tpu.concatenate %broadcast_in_dim3A_33, %broadcast_in_dim3A_49, %broadcast_in_dim3A_65, %broadcast_in_dim3A_81, %broadcast_in_dim3A_97, %broadcast_in_dim3A_113 in 1 : vector<512x1xf32>, vector<512x1xf32>, vector<512x1xf32>, vector<512x1xf32>, vector<512x1xf32>, vector<512x1xf32> -> vector<512x6xf32>
    %convert_element_type3A_114 = arith.fptosi %concatenate3A : vector<512x6xf32> to vector<512x6xi32>
    %mul3A_115 = arith.constant 2048 : i32
    %mul3A_116 = arith.muli %arg0, %mul3A_115 : i32
    %add3A_117 = vector.broadcast %mul3A_116 : i32 to vector<512x6xi32>
    %add3A_118 = arith.addi %convert_element_type3A_114, %add3A_117 : vector<512x6xi32>
    %swap3A = arith.constant 0 : index
    %swap3A_119 = arith.constant 0 : index
    %swap3A_120 = arith.constant 0 : index
    %swap3A_121 = vector.load %arg13[%swap3A, %swap3A_119, %swap3A_120] : memref<1x512x6xi32, #tpu.memory_space<vmem>>, vector<1x512x6xi32>
    %swap3A_122 = vector.shape_cast %swap3A_121 : vector<1x512x6xi32> to vector<512x6xi32>
    %swap3A_123 = vector.shape_cast %add3A_118 : vector<512x6xi32> to vector<1x512x6xi32>
    tpu.vector_store %arg13[%swap3A, %swap3A_119, %swap3A_120], %swap3A_123 {strides = array<i32>} : memref<1x512x6xi32, #tpu.memory_space<vmem>>, vector<1x512x6xi32>,
    %get3A_124 = arith.constant 0 : index
    %get3A_125 = arith.constant 0 : index
    %get3A_126 = arith.constant 0 : index
    %get3A_127 = vector.load %arg4[%get3A_124, %get3A_125, %get3A_126] : memref<1x512x64xf32, #tpu.memory_space<vmem>>, vector<1x512x64xf32>
    %get3A_128 = vector.shape_cast %get3A_127 : vector<1x512x64xf32> to vector<512x64xf32>
    %get3A_129 = arith.constant 0 : index
    %get3A_130 = arith.constant 0 : index
    %get3A_131 = vector.load %arg5[%get3A_129, %get3A_130] : memref<64x64xf32, #tpu.memory_space<vmem>>, vector<64x64xf32>
    %dot_general3A_132 = arith.constant dense<0.000000e+00> : vector<512x64xf32>
    %dot_general3A_133 = tpu.matmul %get3A_128, %get3A_131, %dot_general3A_132 {dimension_numbers = #tpu.dot_dimension_numbers<[1], [0], [0], [1], [0, 0, 1, 1], [], []>, transpose_lhs_hint = false} : vector<512x64xf32>, vector<64x64xf32>, vector<512x64xf32> -> vector<512x64xf32>
    %get3A_134 = arith.constant 0 : index
    %get3A_135 = arith.constant 0 : index
    %get3A_136 = vector.load %arg6[%get3A_134, %get3A_135] : memref<1x64xf32, #tpu.memory_space<vmem>>, vector<1x64xf32>
    %add3A_137 = vector.broadcast %get3A_136 : vector<1x64xf32> to vector<512x64xf32>
    %add3A_138 = arith.addf %dot_general3A_133, %add3A_137 : vector<512x64xf32>
    %swap3A_139 = arith.constant 0 : index
    %swap3A_140 = arith.constant 0 : index
    %swap3A_141 = arith.constant 0 : index
    %swap3A_142 = vector.load %arg11[%swap3A_139, %swap3A_140, %swap3A_141] : memref<1x512x64xf32, #tpu.memory_space<vmem>>, vector<1x512x64xf32>
    %swap3A_143 = vector.shape_cast %swap3A_142 : vector<1x512x64xf32> to vector<512x64xf32>
    %swap3A_144 = vector.shape_cast %add3A_138 : vector<512x64xf32> to vector<1x512x64xf32>
    tpu.vector_store %arg11[%swap3A_139, %swap3A_140, %swap3A_141], %swap3A_144 {strides = array<i32>} : memref<1x512x64xf32, #tpu.memory_space<vmem>>, vector<1x512x64xf32>,
    %get3A_145 = arith.constant 0 : index
    %get3A_146 = arith.constant 0 : index
    %get3A_147 = vector.load %arg7[%get3A_145, %get3A_146] : memref<64x64xf32, #tpu.memory_space<vmem>>, vector<64x64xf32>
    %dot_general3A_148 = arith.constant dense<0.000000e+00> : vector<512x64xf32>
    %dot_general3A_149 = tpu.matmul %get3A_128, %get3A_147, %dot_general3A_148 {dimension_numbers = #tpu.dot_dimension_numbers<[1], [0], [0], [1], [0, 0, 1, 1], [], []>, transpose_lhs_hint = false} : vector<512x64xf32>, vector<64x64xf32>, vector<512x64xf32> -> vector<512x64xf32>
    %get3A_150 = arith.constant 0 : index
    %get3A_151 = arith.constant 0 : index
    %get3A_152 = vector.load %arg8[%get3A_150, %get3A_151] : memref<1x64xf32, #tpu.memory_space<vmem>>, vector<1x64xf32>
    %add3A_153 = vector.broadcast %get3A_152 : vector<1x64xf32> to vector<512x64xf32>
    %add3A_154 = arith.addf %dot_general3A_149, %add3A_153 : vector<512x64xf32>
    %get3A_155 = arith.constant 0 : index
    %get3A_156 = arith.constant 0 : index
    %get3A_157 = vector.load %arg9[%get3A_155, %get3A_156] : memref<64x64xf32, #tpu.memory_space<vmem>>, vector<64x64xf32>
    %dot_general3A_158 = arith.constant dense<0.000000e+00> : vector<512x64xf32>
    %dot_general3A_159 = tpu.matmul %get3A_128, %get3A_157, %dot_general3A_158 {dimension_numbers = #tpu.dot_dimension_numbers<[1], [0], [0], [1], [0, 0, 1, 1], [], []>, transpose_lhs_hint = false} : vector<512x64xf32>, vector<64x64xf32>, vector<512x64xf32> -> vector<512x64xf32>
    %get3A_160 = arith.constant 0 : index
    %get3A_161 = arith.constant 0 : index
    %get3A_162 = vector.load %arg10[%get3A_160, %get3A_161] : memref<1x64xf32, #tpu.memory_space<vmem>>, vector<1x64xf32>
    %add3A_163 = vector.broadcast %get3A_162 : vector<1x64xf32> to vector<512x64xf32>
    %add3A_164 = arith.addf %dot_general3A_159, %add3A_163 : vector<512x64xf32>
    %concatenate3A_165 = tpu.concatenate %add3A_154, %add3A_164 in 1 : vector<512x64xf32>, vector<512x64xf32> -> vector<512x128xf32>
    %swap3A_166 = arith.constant 0 : index
    %swap3A_167 = arith.constant 0 : index
    %swap3A_168 = arith.constant 0 : index
    %swap3A_169 = vector.load %arg12[%swap3A_166, %swap3A_167, %swap3A_168] : memref<1x512x128xf32, #tpu.memory_space<vmem>>, vector<1x512x128xf32>
    %swap3A_170 = vector.shape_cast %swap3A_169 : vector<1x512x128xf32> to vector<512x128xf32>
    %swap3A_171 = vector.shape_cast %concatenate3A_165 : vector<512x128xf32> to vector<1x512x128xf32>
    tpu.vector_store %arg12[%swap3A_166, %swap3A_167, %swap3A_168], %swap3A_171 {strides = array<i32>} : memref<1x512x128xf32, #tpu.memory_space<vmem>>, vector<1x512x128xf32>,
    return
  }
  func.func @transform_0(%arg0: i32, %arg1: i32) -> (i32, i32, i32) {
    %c0_i32 = arith.constant 0 : i32
    %c0_i32_0 = arith.constant 0 : i32
    return %arg0, %arg1, %c0_i32 : i32, i32, i32
  }
  func.func @transform_1(%arg0: i32, %arg1: i32) -> (i32, i32, i32) {
    %c0_i32 = arith.constant 0 : i32
    %c0_i32_0 = arith.constant 0 : i32
    %c0_i32_1 = arith.constant 0 : i32
    return %arg0, %c0_i32, %c0_i32_0 : i32, i32, i32
  }
  func.func @transform_2(%arg0: i32, %arg1: i32) -> (i32, i32, i32) {
    %c0_i32 = arith.constant 0 : i32
    %c0_i32_0 = arith.constant 0 : i32
    return %arg0, %arg1, %c0_i32 : i32, i32, i32
  }
  func.func @transform_3(%arg0: i32, %arg1: i32) -> (i32, i32) {
    %c0_i32 = arith.constant 0 : i32
    %c0_i32_0 = arith.constant 0 : i32
    %c0_i32_1 = arith.constant 0 : i32
    return %c0_i32, %c0_i32_0 : i32, i32
  }
  func.func @transform_4(%arg0: i32, %arg1: i32) -> (i32, i32) {
    %c0_i32 = arith.constant 0 : i32
    %c0_i32_0 = arith.constant 0 : i32
    %c0_i32_1 = arith.constant 0 : i32
    return %c0_i32, %c0_i32_0 : i32, i32
  }
  func.func @transform_5(%arg0: i32, %arg1: i32) -> (i32, i32) {
    %c0_i32 = arith.constant 0 : i32
    %c0_i32_0 = arith.constant 0 : i32
    %c0_i32_1 = arith.constant 0 : i32
    return %c0_i32, %c0_i32_0 : i32, i32
  }
  func.func @transform_6(%arg0: i32, %arg1: i32) -> (i32, i32) {
    %c0_i32 = arith.constant 0 : i32
    %c0_i32_0 = arith.constant 0 : i32
    %c0_i32_1 = arith.constant 0 : i32
    return %c0_i32, %c0_i32_0 : i32, i32
  }
  func.func @transform_7(%arg0: i32, %arg1: i32) -> (i32, i32) {
    %c0_i32 = arith.constant 0 : i32
    %c0_i32_0 = arith.constant 0 : i32
    %c0_i32_1 = arith.constant 0 : i32
    return %c0_i32, %c0_i32_0 : i32, i32
  }
  func.func @transform_8(%arg0: i32, %arg1: i32) -> (i32, i32) {
    %c0_i32 = arith.constant 0 : i32
    %c0_i32_0 = arith.constant 0 : i32
    %c0_i32_1 = arith.constant 0 : i32
    return %c0_i32, %c0_i32_0 : i32, i32
  }
  func.func @transform_9(%arg0: i32, %arg1: i32) -> (i32, i32, i32) {
    %c0_i32 = arith.constant 0 : i32
    %c0_i32_0 = arith.constant 0 : i32
    return %arg0, %arg1, %c0_i32 : i32, i32, i32
  }
  func.func @transform_10(%arg0: i32, %arg1: i32) -> (i32, i32, i32) {
    %c0_i32 = arith.constant 0 : i32
    %c0_i32_0 = arith.constant 0 : i32
    return %arg0, %arg1, %c0_i32 : i32, i32, i32
  }
  func.func @transform_11(%arg0: i32, %arg1: i32) -> (i32, i32, i32) {
    %c0_i32 = arith.constant 0 : i32
    %c0_i32_0 = arith.constant 0 : i32
    return %arg0, %arg1, %c0_i32 : i32, i32, i32
  }
}

module attributes {stable_mosaic.version = 14 : i64} {
  func.func @_attn_kernel(%arg0: i32, %arg1: memref<2048x64xf32, #tpu.memory_space<vmem>>, %arg2: memref<2048x128xf32, #tpu.memory_space<vmem>>, %arg3: memref<2048x128xf32, #tpu.memory_space<vmem>>, %arg4: memref<2048x128xf32, #tpu.memory_space<vmem>>, %arg5: memref<2048x128xf32, #tpu.memory_space<vmem>>, %arg6: memref<2048x128xf32, #tpu.memory_space<vmem>>, %arg7: memref<2048x128xf32, #tpu.memory_space<vmem>>, %arg8: memref<2048x64xf32, #tpu.memory_space<vmem>>) attributes {dimension_semantics = [#tpu.dimension_semantics<arbitrary>], iteration_bounds = array<i64: 4>, scalar_prefetch = 0 : i64, scratch_operands = 0 : i64, tpu.core_type = #tpu.core_type<tc>, window_params = [{transform_indices = @transform_0, window_bounds = array<i64: 2048, 64>}, {transform_indices = @transform_1, window_bounds = array<i64: 2048, 128>}, {transform_indices = @transform_2, window_bounds = array<i64: 2048, 128>}, {transform_indices = @transform_3, window_bounds = array<i64: 2048, 128>}, {transform_indices = @transform_4, window_bounds = array<i64: 2048, 128>}, {transform_indices = @transform_5, window_bounds = array<i64: 2048, 128>}, {transform_indices = @transform_6, window_bounds = array<i64: 2048, 128>}, {transform_indices = @transform_7, window_bounds = array<i64: 2048, 64>}]} {
    %get3A = arith.constant 0 : index
    %get3A_0 = arith.constant 0 : index
    %get3A_1 = vector.load %arg1[%get3A, %get3A_0] : memref<2048x64xf32, #tpu.memory_space<vmem>>, vector<2048x64xf32>
    %get3A_2 = arith.constant 0 : index
    %get3A_3 = arith.constant 0 : index
    %get3A_4 = vector.load %arg2[%get3A_2, %get3A_3] : memref<2048x128xf32, #tpu.memory_space<vmem>>, vector<2048x64xf32>
    %mul3A = arith.mulf %get3A_1, %get3A_4 : vector<2048x64xf32>
    %reduce_sum3A = arith.constant dense<0.000000e+00> : vector<2048xf32>
    %reduce_sum3A_5 = vector.multi_reduction <add>, %mul3A, %reduce_sum3A [1] : vector<2048x64xf32> to vector<2048xf32>
    %broadcast_in_dim3A = vector.shape_cast %reduce_sum3A_5 : vector<2048xf32> to vector<2048x1xf32>
    %mul3A_6 = arith.constant 1.250000e-01 : f32
    %mul3A_7 = vector.broadcast %mul3A_6 : f32 to vector<2048x1xf32>
    %mul3A_8 = arith.mulf %broadcast_in_dim3A, %mul3A_7 : vector<2048x1xf32>
    %get3A_9 = arith.constant 0 : index
    %get3A_10 = arith.constant 0 : index
    %get3A_11 = vector.load %arg3[%get3A_9, %get3A_10] : memref<2048x128xf32, #tpu.memory_space<vmem>>, vector<2048x64xf32>
    %mul3A_12 = arith.mulf %get3A_1, %get3A_11 : vector<2048x64xf32>
    %reduce_sum3A_13 = arith.constant dense<0.000000e+00> : vector<2048xf32>
    %reduce_sum3A_14 = vector.multi_reduction <add>, %mul3A_12, %reduce_sum3A_13 [1] : vector<2048x64xf32> to vector<2048xf32>
    %broadcast_in_dim3A_15 = vector.shape_cast %reduce_sum3A_14 : vector<2048xf32> to vector<2048x1xf32>
    %mul3A_16 = arith.constant 1.250000e-01 : f32
    %mul3A_17 = vector.broadcast %mul3A_16 : f32 to vector<2048x1xf32>
    %mul3A_18 = arith.mulf %broadcast_in_dim3A_15, %mul3A_17 : vector<2048x1xf32>
    %get3A_19 = arith.constant 0 : index
    %get3A_20 = arith.constant 0 : index
    %get3A_21 = vector.load %arg4[%get3A_19, %get3A_20] : memref<2048x128xf32, #tpu.memory_space<vmem>>, vector<2048x64xf32>
    %mul3A_22 = arith.mulf %get3A_1, %get3A_21 : vector<2048x64xf32>
    %reduce_sum3A_23 = arith.constant dense<0.000000e+00> : vector<2048xf32>
    %reduce_sum3A_24 = vector.multi_reduction <add>, %mul3A_22, %reduce_sum3A_23 [1] : vector<2048x64xf32> to vector<2048xf32>
    %broadcast_in_dim3A_25 = vector.shape_cast %reduce_sum3A_24 : vector<2048xf32> to vector<2048x1xf32>
    %mul3A_26 = arith.constant 1.250000e-01 : f32
    %mul3A_27 = vector.broadcast %mul3A_26 : f32 to vector<2048x1xf32>
    %mul3A_28 = arith.mulf %broadcast_in_dim3A_25, %mul3A_27 : vector<2048x1xf32>
    %get3A_29 = arith.constant 0 : index
    %get3A_30 = arith.constant 0 : index
    %get3A_31 = vector.load %arg5[%get3A_29, %get3A_30] : memref<2048x128xf32, #tpu.memory_space<vmem>>, vector<2048x64xf32>
    %mul3A_32 = arith.mulf %get3A_1, %get3A_31 : vector<2048x64xf32>
    %reduce_sum3A_33 = arith.constant dense<0.000000e+00> : vector<2048xf32>
    %reduce_sum3A_34 = vector.multi_reduction <add>, %mul3A_32, %reduce_sum3A_33 [1] : vector<2048x64xf32> to vector<2048xf32>
    %broadcast_in_dim3A_35 = vector.shape_cast %reduce_sum3A_34 : vector<2048xf32> to vector<2048x1xf32>
    %mul3A_36 = arith.constant 1.250000e-01 : f32
    %mul3A_37 = vector.broadcast %mul3A_36 : f32 to vector<2048x1xf32>
    %mul3A_38 = arith.mulf %broadcast_in_dim3A_35, %mul3A_37 : vector<2048x1xf32>
    %get3A_39 = arith.constant 0 : index
    %get3A_40 = arith.constant 0 : index
    %get3A_41 = vector.load %arg6[%get3A_39, %get3A_40] : memref<2048x128xf32, #tpu.memory_space<vmem>>, vector<2048x64xf32>
    %mul3A_42 = arith.mulf %get3A_1, %get3A_41 : vector<2048x64xf32>
    %reduce_sum3A_43 = arith.constant dense<0.000000e+00> : vector<2048xf32>
    %reduce_sum3A_44 = vector.multi_reduction <add>, %mul3A_42, %reduce_sum3A_43 [1] : vector<2048x64xf32> to vector<2048xf32>
    %broadcast_in_dim3A_45 = vector.shape_cast %reduce_sum3A_44 : vector<2048xf32> to vector<2048x1xf32>
    %mul3A_46 = arith.constant 1.250000e-01 : f32
    %mul3A_47 = vector.broadcast %mul3A_46 : f32 to vector<2048x1xf32>
    %mul3A_48 = arith.mulf %broadcast_in_dim3A_45, %mul3A_47 : vector<2048x1xf32>
    %get3A_49 = arith.constant 0 : index
    %get3A_50 = arith.constant 0 : index
    %get3A_51 = vector.load %arg7[%get3A_49, %get3A_50] : memref<2048x128xf32, #tpu.memory_space<vmem>>, vector<2048x64xf32>
    %mul3A_52 = arith.mulf %get3A_1, %get3A_51 : vector<2048x64xf32>
    %reduce_sum3A_53 = arith.constant dense<0.000000e+00> : vector<2048xf32>
    %reduce_sum3A_54 = vector.multi_reduction <add>, %mul3A_52, %reduce_sum3A_53 [1] : vector<2048x64xf32> to vector<2048xf32>
    %broadcast_in_dim3A_55 = vector.shape_cast %reduce_sum3A_54 : vector<2048xf32> to vector<2048x1xf32>
    %mul3A_56 = arith.constant 1.250000e-01 : f32
    %mul3A_57 = vector.broadcast %mul3A_56 : f32 to vector<2048x1xf32>
    %mul3A_58 = arith.mulf %broadcast_in_dim3A_55, %mul3A_57 : vector<2048x1xf32>
    %max3A = arith.maximumf %mul3A_8, %mul3A_18 : vector<2048x1xf32>
    %max3A_59 = arith.maximumf %max3A, %mul3A_28 : vector<2048x1xf32>
    %max3A_60 = arith.maximumf %max3A_59, %mul3A_38 : vector<2048x1xf32>
    %max3A_61 = arith.maximumf %max3A_60, %mul3A_48 : vector<2048x1xf32>
    %max3A_62 = arith.maximumf %max3A_61, %mul3A_58 : vector<2048x1xf32>
    %sub3A = arith.subf %mul3A_8, %max3A_62 : vector<2048x1xf32>
    %exp3A = math.exp %sub3A : vector<2048x1xf32>
    %sub3A_63 = arith.subf %mul3A_18, %max3A_62 : vector<2048x1xf32>
    %exp3A_64 = math.exp %sub3A_63 : vector<2048x1xf32>
    %sub3A_65 = arith.subf %mul3A_28, %max3A_62 : vector<2048x1xf32>
    %exp3A_66 = math.exp %sub3A_65 : vector<2048x1xf32>
    %sub3A_67 = arith.subf %mul3A_38, %max3A_62 : vector<2048x1xf32>
    %exp3A_68 = math.exp %sub3A_67 : vector<2048x1xf32>
    %sub3A_69 = arith.subf %mul3A_48, %max3A_62 : vector<2048x1xf32>
    %exp3A_70 = math.exp %sub3A_69 : vector<2048x1xf32>
    %sub3A_71 = arith.subf %mul3A_58, %max3A_62 : vector<2048x1xf32>
    %exp3A_72 = math.exp %sub3A_71 : vector<2048x1xf32>
    %add3A = arith.addf %exp3A, %exp3A_64 : vector<2048x1xf32>
    %add3A_73 = arith.addf %add3A, %exp3A_66 : vector<2048x1xf32>
    %add3A_74 = arith.addf %add3A_73, %exp3A_68 : vector<2048x1xf32>
    %add3A_75 = arith.addf %add3A_74, %exp3A_70 : vector<2048x1xf32>
    %add3A_76 = arith.addf %add3A_75, %exp3A_72 : vector<2048x1xf32>
    %broadcast_in_dim3A_77 = arith.constant 0.000000e+00 : f32
    %broadcast_in_dim3A_78 = vector.broadcast %broadcast_in_dim3A_77 : f32 to vector<2048x64xf32>
    %get3A_79 = arith.constant 0 : index
    %get3A_80 = arith.constant 64 : index
    %get3A_81 = vector.load %arg2[%get3A_79, %get3A_80] : memref<2048x128xf32, #tpu.memory_space<vmem>>, vector<2048x64xf32>
    %div3A = arith.divf %exp3A, %add3A_76 : vector<2048x1xf32>
    %mul3A_82 = vector.broadcast %div3A : vector<2048x1xf32> to vector<2048x64xf32>
    %mul3A_83 = arith.mulf %mul3A_82, %get3A_81 : vector<2048x64xf32>
    %add3A_84 = arith.addf %broadcast_in_dim3A_78, %mul3A_83 : vector<2048x64xf32>
    %get3A_85 = arith.constant 0 : index
    %get3A_86 = arith.constant 64 : index
    %get3A_87 = vector.load %arg3[%get3A_85, %get3A_86] : memref<2048x128xf32, #tpu.memory_space<vmem>>, vector<2048x64xf32>
    %div3A_88 = arith.divf %exp3A_64, %add3A_76 : vector<2048x1xf32>
    %mul3A_89 = vector.broadcast %div3A_88 : vector<2048x1xf32> to vector<2048x64xf32>
    %mul3A_90 = arith.mulf %mul3A_89, %get3A_87 : vector<2048x64xf32>
    %add3A_91 = arith.addf %add3A_84, %mul3A_90 : vector<2048x64xf32>
    %get3A_92 = arith.constant 0 : index
    %get3A_93 = arith.constant 64 : index
    %get3A_94 = vector.load %arg4[%get3A_92, %get3A_93] : memref<2048x128xf32, #tpu.memory_space<vmem>>, vector<2048x64xf32>
    %div3A_95 = arith.divf %exp3A_66, %add3A_76 : vector<2048x1xf32>
    %mul3A_96 = vector.broadcast %div3A_95 : vector<2048x1xf32> to vector<2048x64xf32>
    %mul3A_97 = arith.mulf %mul3A_96, %get3A_94 : vector<2048x64xf32>
    %add3A_98 = arith.addf %add3A_91, %mul3A_97 : vector<2048x64xf32>
    %get3A_99 = arith.constant 0 : index
    %get3A_100 = arith.constant 64 : index
    %get3A_101 = vector.load %arg5[%get3A_99, %get3A_100] : memref<2048x128xf32, #tpu.memory_space<vmem>>, vector<2048x64xf32>
    %div3A_102 = arith.divf %exp3A_68, %add3A_76 : vector<2048x1xf32>
    %mul3A_103 = vector.broadcast %div3A_102 : vector<2048x1xf32> to vector<2048x64xf32>
    %mul3A_104 = arith.mulf %mul3A_103, %get3A_101 : vector<2048x64xf32>
    %add3A_105 = arith.addf %add3A_98, %mul3A_104 : vector<2048x64xf32>
    %get3A_106 = arith.constant 0 : index
    %get3A_107 = arith.constant 64 : index
    %get3A_108 = vector.load %arg6[%get3A_106, %get3A_107] : memref<2048x128xf32, #tpu.memory_space<vmem>>, vector<2048x64xf32>
    %div3A_109 = arith.divf %exp3A_70, %add3A_76 : vector<2048x1xf32>
    %mul3A_110 = vector.broadcast %div3A_109 : vector<2048x1xf32> to vector<2048x64xf32>
    %mul3A_111 = arith.mulf %mul3A_110, %get3A_108 : vector<2048x64xf32>
    %add3A_112 = arith.addf %add3A_105, %mul3A_111 : vector<2048x64xf32>
    %get3A_113 = arith.constant 0 : index
    %get3A_114 = arith.constant 64 : index
    %get3A_115 = vector.load %arg7[%get3A_113, %get3A_114] : memref<2048x128xf32, #tpu.memory_space<vmem>>, vector<2048x64xf32>
    %div3A_116 = arith.divf %exp3A_72, %add3A_76 : vector<2048x1xf32>
    %mul3A_117 = vector.broadcast %div3A_116 : vector<2048x1xf32> to vector<2048x64xf32>
    %mul3A_118 = arith.mulf %mul3A_117, %get3A_115 : vector<2048x64xf32>
    %add3A_119 = arith.addf %add3A_112, %mul3A_118 : vector<2048x64xf32>
    %swap3A = arith.constant 0 : index
    %swap3A_120 = arith.constant 0 : index
    %swap3A_121 = vector.load %arg8[%swap3A, %swap3A_120] : memref<2048x64xf32, #tpu.memory_space<vmem>>, vector<2048x64xf32>
    tpu.vector_store %arg8[%swap3A, %swap3A_120], %add3A_119 {strides = array<i32>} : memref<2048x64xf32, #tpu.memory_space<vmem>>, vector<2048x64xf32>,
    return
  }
  func.func @transform_0(%arg0: i32) -> (i32, i32) {
    %c0_i32 = arith.constant 0 : i32
    %c0_i32_0 = arith.constant 0 : i32
    return %arg0, %c0_i32 : i32, i32
  }
  func.func @transform_1(%arg0: i32) -> (i32, i32) {
    %add3A = arith.constant 0 : i32
    %add3A_0 = arith.addi %add3A, %arg0 : i32
    %c0_i32 = arith.constant 0 : i32
    %c0_i32_1 = arith.constant 0 : i32
    return %add3A_0, %c0_i32 : i32, i32
  }
  func.func @transform_2(%arg0: i32) -> (i32, i32) {
    %add3A = arith.constant 4 : i32
    %add3A_0 = arith.addi %add3A, %arg0 : i32
    %c0_i32 = arith.constant 0 : i32
    %c0_i32_1 = arith.constant 0 : i32
    return %add3A_0, %c0_i32 : i32, i32
  }
  func.func @transform_3(%arg0: i32) -> (i32, i32) {
    %add3A = arith.constant 8 : i32
    %add3A_0 = arith.addi %add3A, %arg0 : i32
    %c0_i32 = arith.constant 0 : i32
    %c0_i32_1 = arith.constant 0 : i32
    return %add3A_0, %c0_i32 : i32, i32
  }
  func.func @transform_4(%arg0: i32) -> (i32, i32) {
    %add3A = arith.constant 12 : i32
    %add3A_0 = arith.addi %add3A, %arg0 : i32
    %c0_i32 = arith.constant 0 : i32
    %c0_i32_1 = arith.constant 0 : i32
    return %add3A_0, %c0_i32 : i32, i32
  }
  func.func @transform_5(%arg0: i32) -> (i32, i32) {
    %add3A = arith.constant 16 : i32
    %add3A_0 = arith.addi %add3A, %arg0 : i32
    %c0_i32 = arith.constant 0 : i32
    %c0_i32_1 = arith.constant 0 : i32
    return %add3A_0, %c0_i32 : i32, i32
  }
  func.func @transform_6(%arg0: i32) -> (i32, i32) {
    %add3A = arith.constant 20 : i32
    %add3A_0 = arith.addi %add3A, %arg0 : i32
    %c0_i32 = arith.constant 0 : i32
    %c0_i32_1 = arith.constant 0 : i32
    return %add3A_0, %c0_i32 : i32, i32
  }
  func.func @transform_7(%arg0: i32) -> (i32, i32) {
    %c0_i32 = arith.constant 0 : i32
    %c0_i32_0 = arith.constant 0 : i32
    return %arg0, %c0_i32 : i32, i32
  }
}

</mosaic_0001>

<sc_bundles>
// kernel: kernel.5.cloned.1.call-start
scs
__scs_entry_jumppad:
0x0: {  	(pc) =	sbr.rel $0x88, $3  }
0x1: {  	(tag) =	ssettag $0x0;
	lr =	simm.s32 $0x1  }
0x2: {  	[smem:$0x3F99] =	sst lr;
	_ =	strace $0xD0000000  }
0x3: {  	_ = 	snop  }
0x4: {  	_ = 	snop  }
0x5: {  	_ = 	snop  }
0x6: {  	_ = 	snop  }
0x7: {  	_ = 	snop  }
__scs_overlays_trampoline_lowered:
0x8: {  	[smem:$0x3FA8] =	sst s0  }
0x9: {  	[smem:$0x3FA9] =	sst s1  }
0xa: {  	[smem:$0x3FAA] =	sst s2  }
0xb: {  	[smem:$0x3FAB] =	sst s3  }
0xc: {  	[smem:$0x3FAC] =	sst s4  }
0xd: {  	[smem:$0x3FAD] =	sst s5  }
0xe: {  	[smem:$0x3FAE] =	sst s6  }
0xf: {  	[smem:$0x3FAF] =	sst s7  }
0x10: {  	[smem:$0x3FB0] =	sst s8  }
0x11: {  	[smem:$0x3FB1] =	sst s9;
	s0 =	simm.s32 @!p0 $0x0  }
0x12: {  	s1 =	sld [smem:$0x3F97];
	s0 =	simm.s32 @p0 $0x1  }
0x13: {  	[smem:$0x3FB2] =	sst s0;
	s0 =	simm.s32 @!p1 $0x0  }
0x14: {  	s2 =	sld [smem:$0x3F96];
	s0 =	simm.s32 @p1 $0x1  }
0x15: {  	[smem:$0x3FB3] =	sst s0;
	s0 =	simm.s32 @!p2 $0x0  }
0x16: {  	s3 =	sld [smem:$0x3FDB];
	s0 =	simm.s32 @p2 $0x1  }
0x17: {  	s4 =	simm.s32 $0x1BF5;
	[smem:$0x3FB5] =	sst s0  }
0x18: {  	s0 =	sld [smem:$0x3F98];
	_ =	swait.ge [sflag:s4], $0x0  }
0x19: {  	s7 =	sld [smem:$0x3F99]  }
0x1a: {  	s8 =	sadd.s32 $0xFFFFE003, lr  }
0x1b: {  	s9 =	sadd.s32 $0xFFFFFEF7, lr;
	s5 =	simm.s32 $0xFFFFFFFF;
	p2 =	slt.u32 s8, $0xFFFFF086  }
0x1c: {  	p1 =	slt.u32 s9, $0xF7A;
	s5 =	simm.s32 @!p2 $0x0  }
0x1d: {  	s5 =	simm.s32 @p1 $0x1;
	p0 =	seq.s32 s7, s2  }
0x1e: {  	s7 =	smul.u32 @!p0 $0xF7A, s2;
	p2 =	seq.s32 @!p0 s5, $0x0  }
0x1f: {  	s9 =	smul.u32 $0xF7A, s1;
	s8 =	simm.s32 @!p0 $0x1BF5;
	p2 =	por !p2, p0  }
0x20: {  	[sflag:s8] =	ssyncset.s32 @!p0 $0xFFFFF086;
	s6 =	sadd.s32 @!p0 s3, s7;
	s7 =	simm.s32 @!p0 $0x108  }
0x21: {  	s3 =	sadd.s32 s3, s9;
	s6 =	sadd.s32 @!p0 $0x88, s6;
	s7 =	simm.s32 @p2 $0x1082  }
0x22: {  	[simem:s7], [sflag:s8] =	dma.local @!p0 [hbm:s6], $0xF7A  }
0x23: {  	s9 =	sor.u32 $0xD0000000, s2;
	s6 =	simm.s32 $0x108;
	_ =	swait.ge @!p0 [sflag:s8], $0x0  }
0x24: {  	s3 =	sadd.s32 $0x88, s3;
	s6 =	simm.s32 @!p1 $0x1082;
	[sflag:s4] =	ssyncset.s32 $0xFFFFF086  }
0x25: {  	[simem:s6], [sflag:s4] =	dma.local [hbm:s3], $0xF7A  }
0x26: {  	[smem:$0x3F99] =	sst s1;
	(tag) =	ssettag s2;
	_ =	strace s9  }
0x27: {  	s1 =	sld [smem:$0x3FA9]  }
0x28: {  	s2 =	sld [smem:$0x3FAA]  }
0x29: {  	s4 =	sld [smem:$0x3FAC]  }
0x2a: {  	p0 =	seq.s32 s5, $0x0;
	s5 =	sld [smem:$0x3FAD]  }
0x2b: {  	s6 =	sld [smem:$0x3FAE]  }
0x2c: {  	s7 =	sld [smem:$0x3FAF]  }
0x2d: {  	s3 =	simm.s32 $0x108;
	s8 =	sld [smem:$0x3FB0]  }
0x2e: {  	s3 =	simm.s32 @!p0 $0x1082;
	s9 =	sld [smem:$0x3FB1]  }
0x2f: {  	lr =	sadd.s32 s0, s3;
	s0 =	sld [smem:$0x3FA8]  }
0x30: {  	s3 =	sld [smem:$0x3FAB]  }
0x31: {  	[smem:$0x3FB4] =	sst s10  }
0x32: {  	s10 =	sld [smem:$0x3FB2];
	_ =	sdelay $0x3  }
0x33: {  	p0 =	seq.s32 s10, $0x1;
	s10 =	sld [smem:$0x3FB4];
	_ =	sdelay $0x3  }
0x34: {  	[smem:$0x3FB4] =	sst s10  }
0x35: {  	s10 =	sld [smem:$0x3FB3];
	_ =	sdelay $0x3  }
0x36: {  	p1 =	seq.s32 s10, $0x1;
	s10 =	sld [smem:$0x3FB4];
	_ =	sdelay $0x3  }
0x37: {  	[smem:$0x3FB4] =	sst s10  }
0x38: {  	s10 =	sld [smem:$0x3FB5]  }
0x39: {  	_ = 	snop;
	(pc) =	sbr.ind lr, $3  }
0x3a: {  	_ = 	snop  }
0x3b: {  	_ = 	snop  }
0x3c: {  	p2 =	seq.s32 s10, $0x1;
	s10 =	sld [smem:$0x3FB4]  }
0x3d: {  	_ =	shalt  }
0x3e: {  	_ =	shalt  }
0x3f: {  	_ =	shalt  }
0x40: {  	_ =	shalt  }
0x41: {  	_ =	shalt  }
0x42: {  	_ =	shalt  }
0x43: {  	_ =	shalt  }
0x44: {  	_ =	shalt  }
0x45: {  	_ =	shalt  }
0x46: {  	_ =	shalt  }
0x47: {  	_ =	shalt  }
0x48: {  	_ =	shalt  }
0x49: {  	_ =	shalt  }
0x4a: {  	_ =	shalt  }
0x4b: {  	_ =	shalt  }
0x4c: {  	_ =	shalt  }
0x4d: {  	_ =	shalt  }
0x4e: {  	_ =	shalt  }
0x4f: {  	_ =	shalt  }
0x50: {  	_ =	shalt  }
0x51: {  	_ =	shalt  }
0x52: {  	_ =	shalt  }
0x53: {  	_ =	shalt  }
0x54: {  	_ =	shalt  }
0x55: {  	_ =	shalt  }
0x56: {  	_ =	shalt  }
0x57: {  	_ =	shalt  }
0x58: {  	_ =	shalt  }
0x59: {  	_ =	shalt  }
0x5a: {  	_ =	shalt  }
0x5b: {  	_ =	shalt  }
0x5c: {  	_ =	shalt  }
0x5d: {  	_ =	shalt  }
0x5e: {  	_ =	shalt  }
0x5f: {  	_ =	shalt  }
0x60: {  	_ =	shalt  }
0x61: {  	_ =	shalt  }
0x62: {  	_ =	shalt  }
0x63: {  	_ =	shalt  }
0x64: {  	_ =	shalt  }
0x65: {  	_ =	shalt  }
0x66: {  	_ =	shalt  }
0x67: {  	_ =	shalt  }
0x68: {  	_ =	shalt  }
0x69: {  	_ =	shalt  }
0x6a: {  	_ =	shalt  }
0x6b: {  	_ =	shalt  }
0x6c: {  	_ =	shalt  }
0x6d: {  	_ =	shalt  }
0x6e: {  	_ =	shalt  }
0x6f: {  	_ =	shalt  }
0x70: {  	_ =	shalt  }
0x71: {  	_ =	shalt  }
0x72: {  	_ =	shalt  }
0x73: {  	_ =	shalt  }
0x74: {  	_ =	shalt  }
0x75: {  	_ =	shalt  }
0x76: {  	_ =	shalt  }
0x77: {  	_ =	shalt  }
0x78: {  	_ =	shalt  }
0x79: {  	_ =	shalt  }
0x7a: {  	_ =	shalt  }
0x7b: {  	_ =	shalt  }
0x7c: {  	_ =	shalt  }
0x7d: {  	_ =	shalt  }
0x7e: {  	_ =	shalt  }
0x7f: {  	_ =	shalt  }
0x80: {  	_ =	shalt  }
0x81: {  	_ =	shalt  }
0x82: {  	_ =	shalt  }
0x83: {  	_ =	shalt  }
0x84: {  	_ =	shalt  }
0x85: {  	_ =	shalt  }
0x86: {  	_ =	shalt  }
0x87: {  	_ =	shalt  }
.Lfunc_end0:
.L_simem_size_0:
called_computation_lowered:
.L_overlay_start_0:
0x88: {  	s2 =	sld [smem:$0x3FD9]  }
0x89: {  	s3 =	sld [smem:$0x3FFE];
	_ =	sdelay $0x1  }
0x8a: {  	s1 =	srdreg.scid  }
0x8b: {  	s0 =	sand.u32 $0x1, s1  }
0x8c: {  	s17 =	sshll.u32 s0, $0xA;
	s2 =	sadd.s32 s3, s2  }
0x8d: {  	s2 =	sadd.s32 s2, s17  }
0x8e: {  	[smem:$0x3FC0] =	sst s2  }
0x8f: {  	_ = 	snop  }
0x90: {  	s2 =	sld [smem:$0x3FD0];
	(tm) =	ssettm $0x1  }
0x91: {  	s18 =	sld [smem:$0x3FFB];
	_ =	sdelay $0x3  }
0x92: {  	_ =	strace s18  }
0x93: {  	s3 =	sld [smem:$0x3FFC];
	_ =	sdelay $0x3  }
0x94: {  	_ =	strace s3  }
0x95: {  	s3 =	sld [smem:$0x3FFD];
	_ =	sdelay $0x3  }
0x96: {  	_ =	strace s3  }
0x97: {  	_ =	strace $0x8FFFFFFF  }
0x98: {  	s19 =	sld [smem:$0x3FDB];
	_ =	sdelay $0x1  }
0x99: {  	s4 =	simm.s32 $_scs_section_size  }
0x9a: {  	s5 =	simm.s32 $_size__tile_overlayer_lowered;
	s6 =	simm.s32 $_tile_overlayer_lowered  }
0x9b: {  	s22 =	simm.s32 $0x1BFF;
	s21 =	sshll.u32 s6, $0x1;
	s3 =	sadd.s32 s4, s19  }
0x9c: {  	s7 =	simm.s32 $0x0;
	s20 =	sshll.u32 s5, $0x1;
	s5 =	sadd.s32 s21, s3  }
0x9d: {  	[timem:s7], [sflag:s22] =	dma.local [hbm:s5], s20  }
0x9e: {  	_ =	swait.ge [sflag:s22], s20  }
0x9f: {  	s4 =	ssub.s32 $0x0, s20;
	[sflag:s22] =	ssyncset.done $0x0  }
0xa0: {  	[sflag:s22] =	ssyncadd.s32 s4;
	_ =	sdelay $0x1  }
0xa1: {  	s23 =	simm.s32 $0x1B8B  }
0xa2: {  	_ =	swait.ge [sflag:s23], $0x1  }
0xa3: {  	[sflag:s23] =	ssyncset.done $0x0  }
0xa4: {  	s25 =	simm.s32 $0x1B8E;
	s24 =	sld [smem:$0x3FFE];
	[sflag:s23] =	ssyncadd.s32 $0xFFFFFFFF  }
0xa5: {  	s26 =	simm.s32 $execute0_lowered;
	[smem:$0x3FD2] =	sst s25  }
0xa6: {  	s5 =	sshll.u32 s26, $0x1;
	_ =	strace $0x80000046;
	[dreg:$0x1] =	wrdreg $0xFFFFFFFF  }
0xa7: {  	s28 =	simm.s32 $_size_execute0_lowered;
	s3 =	sadd.s32 s3, s5;
	[dreg:$0x0] =	wrdreg $0x0  }
0xa8: {  	s5 =	sshll.u32 s28, $0x1;
	[dreg:$0x2] =	wrdreg s3  }
0xa9: {  	[dreg:$0x3] =	wrdreg s5  }
0xaa: {  	[dreg:$0x4] =	wrdreg $0xC0  }
0xab: {  	_ =	task [dreg:s7], $0x5FFFF  }
0xac: {  	[dreg:$0x1] =	wrdreg $0xFFFFFFFF  }
0xad: {  	[dreg:$0x0] =	wrdreg $0x60  }
0xae: {  	[dreg:$0x2] =	wrdreg s24  }
0xaf: {  	[dreg:$0x3] =	wrdreg s2  }
0xb0: {  	[dreg:$0x4] =	wrdreg $0x9  }
0xb1: {  	_ =	task.clear_ibuf [dreg:s7], $0x5FFFF;
	_ =	strace $0x90000046  }
0xb2: {  	s29 =	simm.s32 $0x9;
	_ =	strace $0x80000048  }
0xb3: {  	_ =	swait.ge [sflag:s29], $0x1  }
0xb4: {  	[sflag:s29] =	ssyncadd.s32 $0xFFFFFFFF  }
0xb5: {  	_ =	strace $0x90000048  }
0xb6: {  	_ =	sfence  }
0xb7: {  	s30 =	sld [smem:$0x0];
	_ =	sdelay $0x2  }
0xb8: {  	s31 =	sshll.u32 s1, $0xD;
	s1 =	sshrl.u32 s1, $0x2  }
0xb9: {  	s3 =	sand.u32 $0x4000, s31;
	s1 =	sadd.s32 s1, s30  }
0xba: {  	s0 =	sor.u32 s3, s0;
	s1 =	sshll.u32 s1, $0x11  }
0xbb: {  	s0 =	sor.u32 s1, s0  }
0xbc: {  	s0 =	sadd.s32 $0x8F2B, s0  }
0xbd: {  	[sflag:s0] =	ssyncadd.remote.s32 $0x1  }
0xbe: {  	_ =	sfence.sel $0xFFFF  }
0xbf: {  	[dreg:$0x0] =	wrdreg $0xFFFFFFFF;
	(pc) =	sbr.abs _section_cstart, $3  }
0xc0: {  	[dreg:$0x1] =	wrdreg $0xFFFFFFFF  }
0xc1: {  	_ =	task.clear_ibuf [dreg:s7], $0x2FFFF;
	_ =	strace $0x9FFFFFFF  }
0xc2: {  	(tm) =	ssettm $0x7FFFFFFF  }
0xc3: {  	_ =	shalt  }
tec
execute0_lowered:
.L_overlay_start_1:
0x0: {  	(tag) =	ssettag $0x1  }
0x1: {  	s1 =	srdreg.scid;
	s0 =	stileid.u32  }
0x2: {  	s1 =	sand.u32 $0x1, s1;
	s2 =	sshll.u32 s0, $0x1  }
0x3: {  	s16 =	sor.u32 s1, s2  }
0x4: {  	s5 =	rddreg [dreg:$0x0];
	s4 =	smul.u32 $0xC0, s16  }
0x5: {  	s3 =	rddreg [dreg:$0x1];
	s2 =	simm.s32 $0x0;
	s26 =	smul.u32 $0x6000, s16  }
0x6: {  	s17 =	sadd.s32 $0x21600, s5;
	[smem:$0x7FF] =	sst s2;
	s3 =	sadd.s32 s3, s4  }
0x7: {  	_ =	strace $0x80000047;
	[dreg:$0x3] =	wrdreg s3;
	s3 =	sadd.s32 s17, s26  }
0x8: {  	s6 =	rddreg [dreg:$0x3];
	s4 =	sadd.s32 $0x800, s3  }
0x9: {  	[dreg:$0x4] =	wrdreg s4;
	s4 =	simm.s32 $0x3  }
0xa: {  	[tilespmem:s2], [sflag:$0x3] =	stream.linear.gather [hbm4b:s6+s2], $0x600, $0x38;
	[tilespmem:$0x8600] =	vst v63  }
0xb: {  	_ =	swait.ge [sflag:s4], $0x600  }
0xc: {  	s7 =	simm.s32 $0x600;
	[sflag:s4] =	ssyncset.done $0x0  }
0xd: {  	s5 =	sadd.s32 $0x1600, s5;
	s6 =	simm.s32 $0x80;
	[sflag:s4] =	ssyncadd.s32 $0xFFFFFA00  }
0xe: {  	[tilespmem:s7], [sflag:$0x1] =	stream.indirect.gather [hbm4b:s5+s6], $0x80, s2, s6, $0xb8;
	[tilespmem:$0x8600] =	vst v63  }
0xf: {  	s8 =	simm.s32 $0x4600;
	s9 =	simm.s32 $0x1  }
0x10: {  	[tilespmem:s8], [sflag:$0x2] =	stream.indirect.gather [hbm4b:s5+s6], $0x80, s6, s6, $0xb8;
	[tilespmem:$0x8600] =	vst v63  }
0x11: {  	_ =	swait.ge [sflag:s9], $0x4000  }
0x12: {  	[sflag:s9] =	ssyncset.done $0x0  }
0x13: {  	[sflag:s9] =	ssyncadd.s32 $0xFFFFC000  }
0x14: {  	[hbm4b:s3+s2] =	stream.linear.scatter [tilespmem:s7], [sflag:$0x3], $0x4000, $0x38;
	[tilespmem:$0x8600] =	vst v63  }
0x15: {  	_ =	swait.ge [sflag:s4], $0x4000  }
0x16: {  	[sflag:s4] =	ssyncset.done $0x0  }
0x17: {  	s10 =	simm.s32 $0x100;
	s11 =	simm.s32 $0x2;
	[sflag:s4] =	ssyncadd.s32 $0xFFFFC000  }
0x18: {  	[tilespmem:s7], [sflag:$0x1] =	stream.indirect.gather [hbm4b:s5+s6], $0x80, s10, s6, $0xb8;
	[tilespmem:$0x8600] =	vst v63  }
0x19: {  	_ =	swait.ge [sflag:s11], $0x4000  }
0x1a: {  	[sflag:s11] =	ssyncset.done $0x0  }
0x1b: {  	s12 =	rddreg [dreg:$0x4];
	[sflag:s11] =	ssyncadd.s32 $0xFFFFC000  }
0x1c: {  	[hbm4b:s12+s2] =	stream.linear.scatter [tilespmem:s8], [sflag:$0x3], $0x4000, $0x38;
	[tilespmem:$0x8600] =	vst v63  }
0x1d: {  	_ =	swait.ge [sflag:s4], $0x4000  }
0x1e: {  	[sflag:s4] =	ssyncset.done $0x0  }
0x1f: {  	s12 =	simm.s32 $0x180;
	[sflag:s4] =	ssyncadd.s32 $0xFFFFC000  }
0x20: {  	[tilespmem:s8], [sflag:$0x2] =	stream.indirect.gather [hbm4b:s5+s6], $0x80, s12, s6, $0xb8;
	[tilespmem:$0x8600] =	vst v63  }
0x21: {  	_ =	swait.ge [sflag:s9], $0x4000  }
0x22: {  	[sflag:s9] =	ssyncset.done $0x0  }
0x23: {  	s13 =	sadd.s32 $0x1000, s3;
	[sflag:s9] =	ssyncadd.s32 $0xFFFFC000  }
0x24: {  	[hbm4b:s13+s2] =	stream.linear.scatter [tilespmem:s7], [sflag:$0x3], $0x4000, $0x38;
	[tilespmem:$0x8600] =	vst v63  }
0x25: {  	_ =	swait.ge [sflag:s4], $0x4000  }
0x26: {  	[sflag:s4] =	ssyncset.done $0x0  }
0x27: {  	s14 =	simm.s32 $0x200;
	[sflag:s4] =	ssyncadd.s32 $0xFFFFC000  }
0x28: {  	[tilespmem:s7], [sflag:$0x1] =	stream.indirect.gather [hbm4b:s5+s6], $0x80, s14, s6, $0xb8;
	[tilespmem:$0x8600] =	vst v63  }
0x29: {  	_ =	swait.ge [sflag:s11], $0x4000  }
0x2a: {  	[sflag:s11] =	ssyncset.done $0x0  }
0x2b: {  	s15 =	sadd.s32 $0x1800, s3;
	[sflag:s11] =	ssyncadd.s32 $0xFFFFC000  }
0x2c: {  	[hbm4b:s15+s2] =	stream.linear.scatter [tilespmem:s8], [sflag:$0x3], $0x4000, $0x38;
	[tilespmem:$0x8600] =	vst v63  }
0x2d: {  	_ =	swait.ge [sflag:s4], $0x4000  }
0x2e: {  	[sflag:s4] =	ssyncset.done $0x0  }
0x2f: {  	s18 =	smul.u32 $0x30000, s16;
	s16 =	simm.s32 $0x280;
	[sflag:s4] =	ssyncadd.s32 $0xFFFFC000  }
0x30: {  	[tilespmem:s8], [sflag:$0x2] =	stream.indirect.gather [hbm4b:s5+s6], $0x80, s16, s6, $0xb8;
	[tilespmem:$0x8600] =	vst v63  }
0x31: {  	s18 =	sshrl.u32 s18, $0x3;
	_ =	swait.ge [sflag:s9], $0x4000  }
0x32: {  	s31 =	sadd.s32 s17, s18;
	[sflag:s9] =	ssyncset.done $0x0  }
0x33: {  	s17 =	sadd.s32 $0x2000, s31;
	[sflag:s9] =	ssyncadd.s32 $0xFFFFC000  }
0x34: {  	[hbm4b:s17+s2] =	stream.linear.scatter [tilespmem:s7], [sflag:$0x3], $0x4000, $0x38;
	[tilespmem:$0x8600] =	vst v63  }
0x35: {  	_ =	swait.ge [sflag:s4], $0x4000  }
0x36: {  	[sflag:s4] =	ssyncset.done $0x0  }
0x37: {  	s18 =	simm.s32 $0x300;
	[sflag:s4] =	ssyncadd.s32 $0xFFFFC000  }
0x38: {  	[tilespmem:s7], [sflag:$0x1] =	stream.indirect.gather [hbm4b:s5+s6], $0x80, s18, s6, $0xb8;
	[tilespmem:$0x8600] =	vst v63  }
0x39: {  	_ =	swait.ge [sflag:s11], $0x4000  }
0x3a: {  	[sflag:s11] =	ssyncset.done $0x0  }
0x3b: {  	s19 =	sadd.s32 $0x2800, s31;
	[sflag:s11] =	ssyncadd.s32 $0xFFFFC000  }
0x3c: {  	[hbm4b:s19+s2] =	stream.linear.scatter [tilespmem:s8], [sflag:$0x3], $0x4000, $0x38;
	[tilespmem:$0x8600] =	vst v63  }
0x3d: {  	_ =	swait.ge [sflag:s4], $0x4000  }
0x3e: {  	[sflag:s4] =	ssyncset.done $0x0  }
0x3f: {  	s20 =	simm.s32 $0x380;
	[sflag:s4] =	ssyncadd.s32 $0xFFFFC000  }
0x40: {  	[tilespmem:s8], [sflag:$0x2] =	stream.indirect.gather [hbm4b:s5+s6], $0x80, s20, s6, $0xb8;
	[tilespmem:$0x8600] =	vst v63  }
0x41: {  	_ =	swait.ge [sflag:s9], $0x4000  }
0x42: {  	[sflag:s9] =	ssyncset.done $0x0  }
0x43: {  	s21 =	sadd.s32 $0x3000, s31;
	[sflag:s9] =	ssyncadd.s32 $0xFFFFC000  }
0x44: {  	[hbm4b:s21+s2] =	stream.linear.scatter [tilespmem:s7], [sflag:$0x3], $0x4000, $0x38;
	[tilespmem:$0x8600] =	vst v63  }
0x45: {  	_ =	swait.ge [sflag:s4], $0x4000  }
0x46: {  	[sflag:s4] =	ssyncset.done $0x0  }
0x47: {  	s22 =	simm.s32 $0x400;
	[sflag:s4] =	ssyncadd.s32 $0xFFFFC000  }
0x48: {  	[tilespmem:s7], [sflag:$0x1] =	stream.indirect.gather [hbm4b:s5+s6], $0x80, s22, s6, $0xb8;
	[tilespmem:$0x8600] =	vst v63  }
0x49: {  	_ =	swait.ge [sflag:s11], $0x4000  }
0x4a: {  	[sflag:s11] =	ssyncset.done $0x0  }
0x4b: {  	s23 =	sadd.s32 $0x3800, s31;
	[sflag:s11] =	ssyncadd.s32 $0xFFFFC000  }
0x4c: {  	[hbm4b:s23+s2] =	stream.linear.scatter [tilespmem:s8], [sflag:$0x3], $0x4000, $0x38;
	[tilespmem:$0x8600] =	vst v63  }
0x4d: {  	_ =	swait.ge [sflag:s4], $0x4000  }
0x4e: {  	[sflag:s4] =	ssyncset.done $0x0  }
0x4f: {  	s24 =	simm.s32 $0x480;
	[sflag:s4] =	ssyncadd.s32 $0xFFFFC000  }
0x50: {  	[tilespmem:s8], [sflag:$0x2] =	stream.indirect.gather [hbm4b:s5+s6], $0x80, s24, s6, $0xb8;
	[tilespmem:$0x8600] =	vst v63  }
0x51: {  	_ =	swait.ge [sflag:s9], $0x4000  }
0x52: {  	[sflag:s9] =	ssyncset.done $0x0  }
0x53: {  	s25 =	sadd.s32 $0x4000, s31;
	[sflag:s9] =	ssyncadd.s32 $0xFFFFC000  }
0x54: {  	[hbm4b:s25+s2] =	stream.linear.scatter [tilespmem:s7], [sflag:$0x3], $0x4000, $0x38;
	[tilespmem:$0x8600] =	vst v63  }
0x55: {  	_ =	swait.ge [sflag:s4], $0x4000  }
0x56: {  	[sflag:s4] =	ssyncset.done $0x0  }
0x57: {  	s26 =	simm.s32 $0x500;
	[sflag:s4] =	ssyncadd.s32 $0xFFFFC000  }
0x58: {  	[tilespmem:s7], [sflag:$0x1] =	stream.indirect.gather [hbm4b:s5+s6], $0x80, s26, s6, $0xb8;
	[tilespmem:$0x8600] =	vst v63  }
0x59: {  	_ =	swait.ge [sflag:s11], $0x4000  }
0x5a: {  	[sflag:s11] =	ssyncset.done $0x0  }
0x5b: {  	s28 =	sadd.s32 $0x4800, s31;
	[sflag:s11] =	ssyncadd.s32 $0xFFFFC000  }
0x5c: {  	[hbm4b:s28+s2] =	stream.linear.scatter [tilespmem:s8], [sflag:$0x3], $0x4000, $0x38;
	[tilespmem:$0x8600] =	vst v63  }
0x5d: {  	_ =	swait.ge [sflag:s4], $0x4000  }
0x5e: {  	[sflag:s4] =	ssyncset.done $0x0  }
0x5f: {  	s29 =	simm.s32 $0x580;
	[sflag:s4] =	ssyncadd.s32 $0xFFFFC000  }
0x60: {  	[tilespmem:s8], [sflag:$0x2] =	stream.indirect.gather [hbm4b:s5+s6], $0x80, s29, s6, $0xb8;
	[tilespmem:$0x8600] =	vst v63  }
0x61: {  	_ =	swait.ge [sflag:s9], $0x4000  }
0x62: {  	s1 =	ssub.s32 $0x2, s1;
	[sflag:s9] =	ssyncset.done $0x0  }
0x63: {  	s0 =	sshrl.u32 s1, $0x1;
	s30 =	sadd.s32 $0x5000, s31;
	[sflag:s9] =	ssyncadd.s32 $0xFFFFC000  }
0x64: {  	[hbm4b:s30+s2] =	stream.linear.scatter [tilespmem:s7], [sflag:$0x3], $0x4000, $0x38;
	[tilespmem:$0x8600] =	vst v63  }
0x65: {  	s0 =	ssub.s32 s1, s0;
	_ =	swait.ge [sflag:s4], $0x4000  }
0x66: {  	s0 =	smax.u32 s0, $0x1;
	[sflag:s4] =	ssyncset.done $0x0  }
0x67: {  	p0 =	sne.s32 s0, $0x1;
	[sflag:s4] =	ssyncadd.s32 $0xFFFFC000  }
.Ltmp0:
0x68: {  	_ =	swait.ge [sflag:s11], $0x4000;
	(pc) =	sbr.rel @!p0 .LBB2_2-.Ltmp0, $4  }
0x69: {  	[sflag:s11] =	ssyncset.done $0x0  }
0x6a: {  	s31 =	sadd.s32 $0x5800, s31;
	[sflag:s11] =	ssyncadd.s32 $0xFFFFC000  }
0x6b: {  	[hbm4b:s31+s2] =	stream.linear.scatter [tilespmem:s8], [sflag:$0x3], $0x4000, $0x38;
	[tilespmem:$0x8600] =	vst v63  }
0x6c: {  	s1 =	sadd.s32 $0xFFFFFFFF, s0;
	_ =	swait.ge [sflag:s4], $0x4000  }
.LBB2_1:
0x6d: {  	[sflag:s4] =	ssyncset.done $0x0  }
0x6e: {  	s0 =	rddreg [dreg:$0x3];
	[sflag:s4] =	ssyncadd.s32 $0xFFFFC000  }
0x6f: {  	[tilespmem:s2], [sflag:$0x3] =	stream.linear.gather [hbm4b:s0+s2], $0x600, $0x38;
	[tilespmem:$0x8600] =	vst v63  }
0x70: {  	_ =	swait.ge [sflag:s4], $0x600  }
0x71: {  	[sflag:s4] =	ssyncset.done $0x0  }
0x72: {  	[sflag:s4] =	ssyncadd.s32 $0xFFFFFA00  }
0x73: {  	[tilespmem:s7], [sflag:$0x1] =	stream.indirect.gather [hbm4b:s5+s6], $0x80, s2, s6, $0xb8;
	[tilespmem:$0x8600] =	vst v63  }
0x74: {  	_ = 	snop  }
0x75: {  	[tilespmem:s8], [sflag:$0x2] =	stream.indirect.gather [hbm4b:s5+s6], $0x80, s6, s6, $0xb8;
	[tilespmem:$0x8600] =	vst v63  }
0x76: {  	_ =	swait.ge [sflag:s9], $0x4000  }
0x77: {  	[sflag:s9] =	ssyncset.done $0x0  }
0x78: {  	[sflag:s9] =	ssyncadd.s32 $0xFFFFC000  }
0x79: {  	[hbm4b:s3+s2] =	stream.linear.scatter [tilespmem:s7], [sflag:$0x3], $0x4000, $0x38;
	[tilespmem:$0x8600] =	vst v63  }
0x7a: {  	_ =	swait.ge [sflag:s4], $0x4000  }
0x7b: {  	[sflag:s4] =	ssyncset.done $0x0  }
0x7c: {  	[sflag:s4] =	ssyncadd.s32 $0xFFFFC000  }
0x7d: {  	[tilespmem:s7], [sflag:$0x1] =	stream.indirect.gather [hbm4b:s5+s6], $0x80, s10, s6, $0xb8;
	[tilespmem:$0x8600] =	vst v63  }
0x7e: {  	_ =	swait.ge [sflag:s11], $0x4000  }
0x7f: {  	[sflag:s11] =	ssyncset.done $0x0  }
0x80: {  	s0 =	rddreg [dreg:$0x4];
	[sflag:s11] =	ssyncadd.s32 $0xFFFFC000  }
0x81: {  	[hbm4b:s0+s2] =	stream.linear.scatter [tilespmem:s8], [sflag:$0x3], $0x4000, $0x38;
	[tilespmem:$0x8600] =	vst v63  }
0x82: {  	_ =	swait.ge [sflag:s4], $0x4000  }
0x83: {  	[sflag:s4] =	ssyncset.done $0x0  }
0x84: {  	[sflag:s4] =	ssyncadd.s32 $0xFFFFC000  }
0x85: {  	[tilespmem:s8], [sflag:$0x2] =	stream.indirect.gather [hbm4b:s5+s6], $0x80, s12, s6, $0xb8;
	[tilespmem:$0x8600] =	vst v63  }
0x86: {  	_ =	swait.ge [sflag:s9], $0x4000  }
0x87: {  	[sflag:s9] =	ssyncset.done $0x0  }
0x88: {  	[sflag:s9] =	ssyncadd.s32 $0xFFFFC000  }
0x89: {  	[hbm4b:s13+s2] =	stream.linear.scatter [tilespmem:s7], [sflag:$0x3], $0x4000, $0x38;
	[tilespmem:$0x8600] =	vst v63  }
0x8a: {  	_ =	swait.ge [sflag:s4], $0x4000  }
0x8b: {  	[sflag:s4] =	ssyncset.done $0x0  }
0x8c: {  	[sflag:s4] =	ssyncadd.s32 $0xFFFFC000  }
0x8d: {  	[tilespmem:s7], [sflag:$0x1] =	stream.indirect.gather [hbm4b:s5+s6], $0x80, s14, s6, $0xb8;
	[tilespmem:$0x8600] =	vst v63  }
0x8e: {  	_ =	swait.ge [sflag:s11], $0x4000  }
0x8f: {  	[sflag:s11] =	ssyncset.done $0x0  }
0x90: {  	[sflag:s11] =	ssyncadd.s32 $0xFFFFC000  }
0x91: {  	[hbm4b:s15+s2] =	stream.linear.scatter [tilespmem:s8], [sflag:$0x3], $0x4000, $0x38;
	[tilespmem:$0x8600] =	vst v63  }
0x92: {  	_ =	swait.ge [sflag:s4], $0x4000  }
0x93: {  	[sflag:s4] =	ssyncset.done $0x0  }
0x94: {  	[sflag:s4] =	ssyncadd.s32 $0xFFFFC000  }
0x95: {  	[tilespmem:s8], [sflag:$0x2] =	stream.indirect.gather [hbm4b:s5+s6], $0x80, s16, s6, $0xb8;
	[tilespmem:$0x8600] =	vst v63  }
0x96: {  	_ =	swait.ge [sflag:s9], $0x4000  }
0x97: {  	[sflag:s9] =	ssyncset.done $0x0  }
0x98: {  	[sflag:s9] =	ssyncadd.s32 $0xFFFFC000  }
0x99: {  	[hbm4b:s17+s2] =	stream.linear.scatter [tilespmem:s7], [sflag:$0x3], $0x4000, $0x38;
	[tilespmem:$0x8600] =	vst v63  }
0x9a: {  	_ =	swait.ge [sflag:s4], $0x4000  }
0x9b: {  	[sflag:s4] =	ssyncset.done $0x0  }
0x9c: {  	[sflag:s4] =	ssyncadd.s32 $0xFFFFC000  }
0x9d: {  	[tilespmem:s7], [sflag:$0x1] =	stream.indirect.gather [hbm4b:s5+s6], $0x80, s18, s6, $0xb8;
	[tilespmem:$0x8600] =	vst v63  }
0x9e: {  	_ =	swait.ge [sflag:s11], $0x4000  }
0x9f: {  	[sflag:s11] =	ssyncset.done $0x0  }
0xa0: {  	[sflag:s11] =	ssyncadd.s32 $0xFFFFC000  }
0xa1: {  	[hbm4b:s19+s2] =	stream.linear.scatter [tilespmem:s8], [sflag:$0x3], $0x4000, $0x38;
	[tilespmem:$0x8600] =	vst v63  }
0xa2: {  	_ =	swait.ge [sflag:s4], $0x4000  }
0xa3: {  	[sflag:s4] =	ssyncset.done $0x0  }
0xa4: {  	[sflag:s4] =	ssyncadd.s32 $0xFFFFC000  }
0xa5: {  	[tilespmem:s8], [sflag:$0x2] =	stream.indirect.gather [hbm4b:s5+s6], $0x80, s20, s6, $0xb8;
	[tilespmem:$0x8600] =	vst v63  }
0xa6: {  	_ =	swait.ge [sflag:s9], $0x4000  }
0xa7: {  	[sflag:s9] =	ssyncset.done $0x0  }
0xa8: {  	[sflag:s9] =	ssyncadd.s32 $0xFFFFC000  }
0xa9: {  	[hbm4b:s21+s2] =	stream.linear.scatter [tilespmem:s7], [sflag:$0x3], $0x4000, $0x38;
	[tilespmem:$0x8600] =	vst v63  }
0xaa: {  	_ =	swait.ge [sflag:s4], $0x4000  }
0xab: {  	[sflag:s4] =	ssyncset.done $0x0  }
0xac: {  	[sflag:s4] =	ssyncadd.s32 $0xFFFFC000  }
0xad: {  	[tilespmem:s7], [sflag:$0x1] =	stream.indirect.gather [hbm4b:s5+s6], $0x80, s22, s6, $0xb8;
	[tilespmem:$0x8600] =	vst v63  }
0xae: {  	_ =	swait.ge [sflag:s11], $0x4000  }
0xaf: {  	[sflag:s11] =	ssyncset.done $0x0  }
0xb0: {  	[sflag:s11] =	ssyncadd.s32 $0xFFFFC000  }
0xb1: {  	[hbm4b:s23+s2] =	stream.linear.scatter [tilespmem:s8], [sflag:$0x3], $0x4000, $0x38;
	[tilespmem:$0x8600] =	vst v63  }
0xb2: {  	_ =	swait.ge [sflag:s4], $0x4000  }
0xb3: {  	[sflag:s4] =	ssyncset.done $0x0  }
0xb4: {  	[sflag:s4] =	ssyncadd.s32 $0xFFFFC000  }
0xb5: {  	[tilespmem:s8], [sflag:$0x2] =	stream.indirect.gather [hbm4b:s5+s6], $0x80, s24, s6, $0xb8;
	[tilespmem:$0x8600] =	vst v63  }
0xb6: {  	_ =	swait.ge [sflag:s9], $0x4000  }
0xb7: {  	[sflag:s9] =	ssyncset.done $0x0  }
0xb8: {  	[sflag:s9] =	ssyncadd.s32 $0xFFFFC000  }
0xb9: {  	[hbm4b:s25+s2] =	stream.linear.scatter [tilespmem:s7], [sflag:$0x3], $0x4000, $0x38;
	[tilespmem:$0x8600] =	vst v63  }
0xba: {  	_ =	swait.ge [sflag:s4], $0x4000  }
0xbb: {  	[sflag:s4] =	ssyncset.done $0x0  }
0xbc: {  	[sflag:s4] =	ssyncadd.s32 $0xFFFFC000  }
0xbd: {  	[tilespmem:s7], [sflag:$0x1] =	stream.indirect.gather [hbm4b:s5+s6], $0x80, s26, s6, $0xb8;
	[tilespmem:$0x8600] =	vst v63  }
0xbe: {  	_ =	swait.ge [sflag:s11], $0x4000  }
0xbf: {  	[sflag:s11] =	ssyncset.done $0x0  }
0xc0: {  	[sflag:s11] =	ssyncadd.s32 $0xFFFFC000  }
0xc1: {  	[hbm4b:s28+s2] =	stream.linear.scatter [tilespmem:s8], [sflag:$0x3], $0x4000, $0x38;
	[tilespmem:$0x8600] =	vst v63  }
0xc2: {  	_ =	swait.ge [sflag:s4], $0x4000  }
0xc3: {  	[sflag:s4] =	ssyncset.done $0x0  }
0xc4: {  	[sflag:s4] =	ssyncadd.s32 $0xFFFFC000  }
0xc5: {  	[tilespmem:s8], [sflag:$0x2] =	stream.indirect.gather [hbm4b:s5+s6], $0x80, s29, s6, $0xb8;
	[tilespmem:$0x8600] =	vst v63  }
0xc6: {  	_ =	swait.ge [sflag:s9], $0x4000  }
0xc7: {  	[sflag:s9] =	ssyncset.done $0x0  }
0xc8: {  	[sflag:s9] =	ssyncadd.s32 $0xFFFFC000  }
0xc9: {  	[hbm4b:s30+s2] =	stream.linear.scatter [tilespmem:s7], [sflag:$0x3], $0x4000, $0x38;
	[tilespmem:$0x8600] =	vst v63  }
0xca: {  	_ =	swait.ge [sflag:s4], $0x4000  }
0xcb: {  	[sflag:s4] =	ssyncset.done $0x0  }
0xcc: {  	p0 =	sne.s32 s1, $0x1;
	[sflag:s4] =	ssyncadd.s32 $0xFFFFC000  }
.Ltmp1:
0xcd: {  	_ =	swait.ge [sflag:s11], $0x4000;
	(pc) =	sbr.rel @p0 .LBB2_1-.Ltmp1, $4  }
0xce: {  	[sflag:s11] =	ssyncset.done $0x0  }
0xcf: {  	[sflag:s11] =	ssyncadd.s32 $0xFFFFC000  }
0xd0: {  	[hbm4b:s31+s2] =	stream.linear.scatter [tilespmem:s8], [sflag:$0x3], $0x4000, $0x38;
	[tilespmem:$0x8600] =	vst v63  }
0xd1: {  	s1 =	sadd.s32 $0xFFFFFFFF, s1;
	_ =	swait.ge [sflag:s4], $0x4000  }
.LBB2_2:
0xd2: {  	[sflag:s4] =	ssyncset.done $0x0  }
0xd3: {  	[sflag:s4] =	ssyncadd.s32 $0xFFFFC000  }
0xd4: {  	_ =	sfence.sel $0x180000  }
0xd5: {  	[bflag:$0x0] =	sbarrier.arrive $0xFFFF  }
0xd6: {  	_ =	strace $0x90000047  }
0xd7: {  	s0 =	stileid.u32;
	[bflag:$0x2] =	sbarrier.arrive $0xFFFF  }
0xd8: {  	p0 =	sne.s32 s0, $0x0;
	s0 =	rddreg [dreg:$0x2]  }
0xd9: {  	s0 =	sadd.s32 @!p0 $0x100000, s0  }
0xda: {  	[sflag:s0] =	ssyncadd.tile.s32 @!p0 $0x1;
	_ =	shalt  }
.Lfunc_end2:
_tile_overlayer_lowered:
.L_overlay_start_2:
0xdb: {  	(tag) =	ssettag $0x2  }
0xdc: {  	s0 =	rddreg [dreg:$0x0];
	s2 =	stileid.u32  }
0xdd: {  	s1 =	rddreg [dreg:$0x1];
	p0 =	sne.s32 s2, $0x0  }
0xde: {  	s3 =	rddreg [dreg:$0x2];
	[bflag:$0x3] =	sbarrier.arrive $0xFFFF;
	s2 =	simm.s32 @!p0 $0x1C03  }
0xdf: {  	[timem:s3], [sflag:s2] =	dma.local @!p0 [hbm:s0], s1  }
0xe0: {  	s0 =	simm.s32 @!p0 $0x3  }
0xe1: {  	_ =	swait.ge @!p0 [sflag:s0], s1  }
0xe2: {  	s1 =	ssub.s32 @!p0 $0x0, s1;
	[sflag:s0] =	ssyncset.done @!p0 $0x0  }
0xe3: {  	[sflag:s0] =	ssyncadd.s32 @!p0 s1  }
0xe4: {  	[bflag:$0x3] =	sbarrier.arrive $0xFFFF  }
0xe5: {  	_ =	shalt  }

</sc_bundles>
